<compile_context>
chip_gen: v7x
topology: tpu7x:2x2x1
jax: 0.10.2.dev20260603
libtpu: 0.0.44.dev20260713+nightly
codegen_flags: <defaults>
</compile_context>

<pallas_src>
import functools

import jax
import jax.numpy as jnp
from jax import lax
from jax.experimental import pallas as pl
from jax.experimental.pallas import tpu as pltpu
from jax.experimental.pallas import tpu_sc as plsc

N = 10000
E = 320000
D = 128
NW = 32
CH = 128
NCH = 80
NCH2 = NCH // 2
EPT = NCH * CH
EPAD = NW * EPT
NP = 10240
RPT = NP // 16

_f32 = jnp.float32
_i32 = jnp.int32

_MESH = plsc.VectorSubcoreMesh(core_axis_name="c", subcore_axis_name="s")


@functools.partial(
    pl.kernel,
    mesh=_MESH,
    out_type=jax.ShapeDtypeStruct((2, NP), _f32),
    scratch_types=[
        pltpu.VMEM((NCH, CH), _i32),
        pltpu.VMEM((CH,), _f32),
        pltpu.VMEM((RPT,), _f32),
        pltpu.VMEM_SHARED((NP,), _f32),
    ],
)
def _deg_call(dst_hbm, out_hbm, idx_v, ones_v, zero_v, deg_sh):
    c = lax.axis_index("c")
    s = lax.axis_index("s")
    wid = s * 2 + c

    pltpu.sync_copy(dst_hbm.at[wid], idx_v)

    def _fill_ones(i, _):
        ones_v[pl.ds(i * 16, 16)] = jnp.ones((16,), _f32)
        return _

    lax.fori_loop(0, CH // 16, _fill_ones, None)

    def _fill_zero(i, _):
        zero_v[pl.ds(i * 16, 16)] = jnp.zeros((16,), _f32)
        return _

    lax.fori_loop(0, RPT // 16, _fill_zero, None)

    pltpu.sync_copy(zero_v, deg_sh.at[pl.ds(s * RPT, RPT)])
    plsc.subcore_barrier()

    def _scatter(j, _):
        pltpu.sync_copy(ones_v, deg_sh.at[idx_v.at[j]], add=True)
        return _

    lax.fori_loop(0, NCH, _scatter, None)
    plsc.subcore_barrier()

    pltpu.sync_copy(deg_sh.at[pl.ds(s * RPT, RPT)],
                    out_hbm.at[c, pl.ds(s * RPT, RPT)])


NC0 = 80
NC1 = 80
NCHT = 16 * (NC0 + NC1)
NB = 40


@functools.partial(
    pl.kernel,
    mesh=_MESH,
    out_type=jax.ShapeDtypeStruct((2, NP, D), _f32),
    scratch_types=[
        pltpu.VMEM((NB, CH), _i32),
        pltpu.VMEM((NB, CH), _i32),
        pltpu.VMEM((CH, D), _f32),
        pltpu.VMEM((CH, D), _f32),
        pltpu.VMEM_SHARED((NP, D), _f32),
        pltpu.SemaphoreType.DMA,
        pltpu.SemaphoreType.DMA,
    ],
)
def _agg_call(src_hbm, dst_hbm, hp_hbm, out_hbm,
              src_v, dst_v, rows_a, rows_b, acc_sh, sem_a, sem_b):
    c = lax.axis_index("c")
    s = lax.axis_index("s")

    def _zrow(i, _):
        def _zcol(k, __):
            rows_a[i, pl.ds(k * 16, 16)] = jnp.zeros((16,), _f32)
            return __
        lax.fori_loop(0, D // 16, _zcol, None)
        return _

    lax.fori_loop(0, CH, _zrow, None)

    def _zinit(m, _):
        pltpu.sync_copy(rows_a, acc_sh.at[pl.ds(s * RPT + m * CH, CH)])
        return _

    lax.fori_loop(0, RPT // CH, _zinit, None)
    plsc.subcore_barrier()

    def _run(base, nbatch):
        def _batch(q, _):
            b0 = base + q * NB
            pltpu.sync_copy(src_hbm.at[pl.ds(b0, NB)], src_v)
            pltpu.sync_copy(dst_hbm.at[pl.ds(b0, NB)], dst_v)

            pltpu.async_copy(hp_hbm.at[src_v.at[0]], rows_a, sem_a)

            def _step(h, __):
                j = h * 2
                cpb = pltpu.async_copy(hp_hbm.at[src_v.at[j + 1]],
                                       rows_b, sem_b)
                pltpu.make_async_copy(hp_hbm.at[src_v.at[j]],
                                      rows_a, sem_a).wait()
                pltpu.sync_copy(rows_a, acc_sh.at[dst_v.at[j]], add=True)

                @pl.when(j + 2 < NB)
                def _():
                    pltpu.async_copy(hp_hbm.at[src_v.at[j + 2]],
                                     rows_a, sem_a)

                cpb.wait()
                pltpu.sync_copy(rows_b, acc_sh.at[dst_v.at[j + 1]], add=True)
                return __

            lax.fori_loop(0, NB // 2, _step, None)
            return _

        lax.fori_loop(0, nbatch, _batch, None)

    _run((s * 2 + c) * NC0, NC0 // NB)

    plsc.subcore_barrier()

    def _wb(m, _):
        r0 = s * RPT + m * CH
        pltpu.sync_copy(acc_sh.at[pl.ds(r0, CH)],
                        out_hbm.at[c, pl.ds(r0, CH)])
        return _

    lax.fori_loop(0, RPT // CH, _wb, None)


_BLK = 1000


def _mm_body(x_ref, w_ref, deg_ref, hp_ref, dis_ref):
    deg = deg_ref[0] + deg_ref[1] + 1.0
    dis = lax.rsqrt(deg)
    h = jnp.dot(x_ref[...], w_ref[...], preferred_element_type=_f32)
    hp_ref[...] = h * dis
    dis_ref[...] = dis


def _mm_call(x, w, deg3):
    return pl.pallas_call(
        _mm_body,
        grid=(N // _BLK,),
        in_specs=[
            pl.BlockSpec((_BLK, D), lambda r: (r, 0)),
            pl.BlockSpec((D, D), lambda r: (0, 0)),
            pl.BlockSpec((2, _BLK, 1), lambda r: (0, r, 0)),
        ],
        out_specs=[
            pl.BlockSpec((_BLK, D), lambda r: (r, 0)),
            pl.BlockSpec((_BLK, 1), lambda r: (r, 0)),
        ],
        out_shape=[
            jax.ShapeDtypeStruct((NP, D), _f32),
            jax.ShapeDtypeStruct((NP, 1), _f32),
        ],
    )(x, w, deg3)


def _mid_body(acc_ref, hp_ref, dis_ref, b_ref, w_ref, out_ref):
    agg = acc_ref[0] + acc_ref[1] + hp_ref[...]
    h = jnp.maximum(agg * dis_ref[...] + b_ref[...], 0.0)
    out_ref[...] = jnp.dot(h, w_ref[...], preferred_element_type=_f32) \
        * dis_ref[...]


def _mid_call(acc, hp, dis, b, w):
    return pl.pallas_call(
        _mid_body,
        grid=(N // _BLK,),
        in_specs=[
            pl.BlockSpec((2, _BLK, D), lambda r: (0, r, 0)),
            pl.BlockSpec((_BLK, D), lambda r: (r, 0)),
            pl.BlockSpec((_BLK, 1), lambda r: (r, 0)),
            pl.BlockSpec((1, D), lambda r: (0, 0)),
            pl.BlockSpec((D, D), lambda r: (0, 0)),
        ],
        out_specs=pl.BlockSpec((_BLK, D), lambda r: (r, 0)),
        out_shape=jax.ShapeDtypeStruct((NP, D), _f32),
    )(acc, hp, dis, b, w)


def _out_body(acc_ref, hp_ref, dis_ref, b_ref, out_ref):
    agg = acc_ref[0] + acc_ref[1] + hp_ref[...]
    out_ref[...] = agg * dis_ref[...] + b_ref[...]


def _out_call(acc, hp, dis, b):
    return pl.pallas_call(
        _out_body,
        grid=(N // _BLK,),
        in_specs=[
            pl.BlockSpec((2, _BLK, D), lambda r: (0, r, 0)),
            pl.BlockSpec((_BLK, D), lambda r: (r, 0)),
            pl.BlockSpec((_BLK, 1), lambda r: (r, 0)),
            pl.BlockSpec((1, D), lambda r: (0, 0)),
        ],
        out_specs=pl.BlockSpec((_BLK, D), lambda r: (r, 0)),
        out_shape=jax.ShapeDtypeStruct((N, D), _f32),
    )(acc, hp, dis, b)


@jax.jit
def kernel(x, edge_index, W1, b1, W2, b2):
    src = edge_index[0].astype(_i32)
    dst = edge_index[1].astype(_i32)
    pad = jnp.full((EPAD - E,), N, _i32)
    src_r = jnp.concatenate([src, pad]).reshape(NCHT, CH)
    dst_r = jnp.concatenate([dst, pad]).reshape(NCHT, CH)

    degp = _deg_call(dst_r.reshape(NW, NCH, CH))
    deg3 = degp.reshape(2, NP, 1)

    hp1, dis = _mm_call(x, W1, deg3)
    acc1 = _agg_call(src_r, dst_r, hp1)
    hp2 = _mid_call(acc1, hp1, dis, b1.reshape(1, D), W2)
    acc2 = _agg_call(src_r, dst_r, hp2)
    return _out_call(acc2, hp2, dis, b2.reshape(1, D))

# --- scband reference (transcript-rebuilt; emitter-appended) ---
"""Pipeline reference for scband-gcnwith-embeddings-44976897524562 (READ-ONLY COPY).

The authoritative reference and input builder live on the scoring server;
editing this copy changes nothing except your own understanding.
"""

import jax, jax.numpy as jnp
import numpy as np

N_NODES = 10000
N_EDGES = 320000
D_IN = 128
D_HID = 128
D_OUT = 128


def _gcn_conv(x, edge_index, W, b, num_nodes):
    # PyG GCNConv: linear transform, add self-loops, symmetric normalization,
    # scatter-add aggregation, then bias.
    x = x @ W
    src = edge_index[0]
    dst = edge_index[1]
    loop = jnp.arange(num_nodes, dtype=edge_index.dtype)
    src = jnp.concatenate([src, loop])
    dst = jnp.concatenate([dst, loop])
    ew = jnp.ones(src.shape[0], dtype=x.dtype)
    deg = jnp.zeros((num_nodes,), dtype=x.dtype).at[dst].add(ew)
    deg_inv_sqrt = jnp.where(deg > 0, deg ** -0.5, 0.0)
    norm = deg_inv_sqrt[src] * ew * deg_inv_sqrt[dst]
    msg = x[src] * norm[:, None]
    out = jnp.zeros((num_nodes, x.shape[1]), dtype=x.dtype).at[dst].add(msg)
    return out + b


def setup_inputs(seed: int = 0) -> dict:
    key = jax.random.key(seed)
    k_x, k_e, k_w1, k_b1, k_w2, k_b2 = jax.random.split(key, 6)
    x = jax.random.normal(k_x, (N_NODES, D_IN), dtype=jnp.float32)
    edge_index = jax.random.randint(k_e, (2, N_EDGES), 0, N_NODES, dtype=jnp.int64)
    s1 = 1.0 / np.sqrt(D_IN)
    s2 = 1.0 / np.sqrt(D_HID)
    W1 = jax.random.uniform(k_w1, (D_IN, D_HID), dtype=jnp.float32, minval=-s1, maxval=s1)
    b1 = jax.random.uniform(k_b1, (D_HID,), dtype=jnp.float32, minval=-s1, maxval=s1)
    W2 = jax.random.uniform(k_w2, (D_HID, D_OUT), dtype=jnp.float32, minval=-s2, maxval=s2)
    b2 = jax.random.uniform(k_b2, (D_OUT,), dtype=jnp.float32, minval=-s2, maxval=s2)
    return {"x": x, "edge_index": edge_index, "W1": W1, "b1": b1, "W2": W2, "b2": b2}


def reference(x, edge_index, W1, b1, W2, b2):
    h = _gcn_conv(x, edge_index, W1, b1, N_NODES)
    h = jax.nn.relu(h)
    # self.embeddings = h.detach() has no effect on the returned output
    out = _gcn_conv(h, edge_index, W2, b2, N_NODES)
    return out

if __name__ == "__main__":
    import jax
    _d = setup_inputs()
    print(jax.jit(kernel)(*tuple(_d.values())))

</pallas_src>

<mosaic_0001>
#map = affine_map<(d0, d1) -> (0, 0, 0)>
#map1 = affine_map<(d0, d1) -> (0, 0)>
module attributes {stable_mosaic.version = 14 : i64} {
  func.func @_deg_call(%arg0: i32, %arg1: i32, %arg2: memref<32x80x128xi32, #tpu.memory_space<hbm>>, %arg3: memref<2x10240xf32, #tpu.memory_space<hbm>>, %arg4: memref<80x128xi32, #tpu.memory_space<vmem>>, %arg5: memref<128xf32, #tpu.memory_space<vmem>>, %arg6: memref<640xf32, #tpu.memory_space<vmem>>, %arg7: memref<10240xf32, #tpu.memory_space<vmem_shared>>) attributes {dimension_semantics = [#tpu.dimension_semantics<core_parallel>, #tpu.dimension_semantics<subcore_parallel>], iteration_bounds = array<i64: 2, 16>, scalar_prefetch = 0 : i64, scratch_operands = 4 : i64, tpu.core_type = #tpu.core_type<sc_vector_subcore>, window_params = [{transform_indices = #map}, {transform_indices = #map1}]} {
    %mul3A = arith.constant 2 : i32
    %mul3A_0 = arith.muli %arg1, %mul3A : i32
    %add3A = arith.addi %mul3A_0, %arg0 : i32
    "tpu.region"() ({
      %run_scoped3A = tpu.sem_alloc : memref<!tpu.dma_semaphore, #tpu.memory_space<semaphore_mem>>
      %dma_start3A = arith.constant 0 : i32
      %dma_start3A_22 = arith.constant 0 : i32
      %dma_start3A_23 = tpu.memref_slice %arg2[%add3A, %dma_start3A, %dma_start3A_22] : memref<32x80x128xi32, #tpu.memory_space<hbm>> -> memref<1x80x128xi32, #tpu.memory_space<hbm>>
      %dma_start3A_24 = tpu.memref_squeeze %dma_start3A_23 : memref<1x80x128xi32, #tpu.memory_space<hbm>> -> memref<80x128xi32, #tpu.memory_space<hbm>>
      %dma_start3A_25 = arith.constant 0 : i32
      %dma_start3A_26 = arith.constant 0 : i32
      %dma_start3A_27 = tpu.memref_slice %arg2[%add3A, %dma_start3A_25, %dma_start3A_26] : memref<32x80x128xi32, #tpu.memory_space<hbm>> -> memref<1x80x128xi32, #tpu.memory_space<hbm>>
      %dma_start3A_28 = tpu.memref_squeeze %dma_start3A_27 : memref<1x80x128xi32, #tpu.memory_space<hbm>> -> memref<80x128xi32, #tpu.memory_space<hbm>>
      tpu.enqueue_dma source(%dma_start3A_28 : memref<80x128xi32, #tpu.memory_space<hbm>>) target(%arg4 : memref<80x128xi32, #tpu.memory_space<vmem>>) target_semaphore(%run_scoped3A : memref<!tpu.dma_semaphore, #tpu.memory_space<semaphore_mem>>)
      %dma_wait3A = arith.constant 0 : i32
      %dma_wait3A_29 = arith.constant 0 : i32
      %dma_wait3A_30 = tpu.memref_slice %arg2[%add3A, %dma_wait3A, %dma_wait3A_29] : memref<32x80x128xi32, #tpu.memory_space<hbm>> -> memref<1x80x128xi32, #tpu.memory_space<hbm>>
      %dma_wait3A_31 = tpu.memref_squeeze %dma_wait3A_30 : memref<1x80x128xi32, #tpu.memory_space<hbm>> -> memref<80x128xi32, #tpu.memory_space<hbm>>
      %dma_wait3A_32 = arith.constant 0 : i32
      %dma_wait3A_33 = arith.constant 0 : i32
      %dma_wait3A_34 = tpu.memref_slice %arg2[%add3A, %dma_wait3A_32, %dma_wait3A_33] : memref<32x80x128xi32, #tpu.memory_space<hbm>> -> memref<1x80x128xi32, #tpu.memory_space<hbm>>
      %dma_wait3A_35 = tpu.memref_squeeze %dma_wait3A_34 : memref<1x80x128xi32, #tpu.memory_space<hbm>> -> memref<80x128xi32, #tpu.memory_space<hbm>>
      tpu.wait_dma2 semaphore(%run_scoped3A : memref<!tpu.dma_semaphore, #tpu.memory_space<semaphore_mem>>) src(%dma_wait3A_35 : memref<80x128xi32, #tpu.memory_space<hbm>>) dst(%arg4 : memref<80x128xi32, #tpu.memory_space<vmem>>)
      tpu.yield
    }) : () -> ()
    %scan3A = arith.constant 0 : i32
    %scan3A_1 = arith.constant 8 : i32
    %scan3A_2 = arith.addi %scan3A, %scan3A_1 : i32
    %scan3A_3 = arith.constant 1 : i32
    scf.for %scan3A_22 = %scan3A to %scan3A_2 step %scan3A_3  : i32 {
      %broadcast_in_dim3A = arith.constant 1.000000e+00 : f32
      %broadcast_in_dim3A_23 = vector.broadcast %broadcast_in_dim3A : f32 to vector<16xf32>
      %mul3A_24 = arith.constant 16 : i32
      %mul3A_25 = arith.muli %scan3A_22, %mul3A_24 : i32
      %swap3A = arith.index_cast %mul3A_25 : i32 to index
      %swap3A_26 = tpu.vector_load %arg5[%swap3A] {strides = array<i32>} : memref<128xf32, #tpu.memory_space<vmem>>, vector<16xf32>,
      %swap3A_27 = vector.shape_cast %swap3A_26 : vector<16xf32> to vector<16xf32>
      %swap3A_28 = vector.shape_cast %broadcast_in_dim3A_23 : vector<16xf32> to vector<16xf32>
      tpu.vector_store %arg5[%swap3A], %swap3A_28 {strides = array<i32>} : memref<128xf32, #tpu.memory_space<vmem>>, vector<16xf32>,
    }
    %scan3A_4 = arith.constant 8 : i32
    %scan3A_5 = arith.constant 0 : i32
    %scan3A_6 = arith.constant 40 : i32
    %scan3A_7 = arith.addi %scan3A_5, %scan3A_6 : i32
    %scan3A_8 = arith.constant 1 : i32
    scf.for %scan3A_22 = %scan3A_5 to %scan3A_7 step %scan3A_8  : i32 {
      %broadcast_in_dim3A = arith.constant 0.000000e+00 : f32
      %broadcast_in_dim3A_23 = vector.broadcast %broadcast_in_dim3A : f32 to vector<16xf32>
      %mul3A_24 = arith.constant 16 : i32
      %mul3A_25 = arith.muli %scan3A_22, %mul3A_24 : i32
      %swap3A = arith.index_cast %mul3A_25 : i32 to index
      %swap3A_26 = tpu.vector_load %arg6[%swap3A] {strides = array<i32>} : memref<640xf32, #tpu.memory_space<vmem>>, vector<16xf32>,
      %swap3A_27 = vector.shape_cast %swap3A_26 : vector<16xf32> to vector<16xf32>
      %swap3A_28 = vector.shape_cast %broadcast_in_dim3A_23 : vector<16xf32> to vector<16xf32>
      tpu.vector_store %arg6[%swap3A], %swap3A_28 {strides = array<i32>} : memref<640xf32, #tpu.memory_space<vmem>>, vector<16xf32>,
    }
    %scan3A_9 = arith.constant 40 : i32
    %mul3A_10 = arith.constant 640 : i32
    %mul3A_11 = arith.muli %arg1, %mul3A_10 : i32
    "tpu.region"() ({
      %run_scoped3A = tpu.sem_alloc : memref<!tpu.dma_semaphore, #tpu.memory_space<semaphore_mem>>
      %dma_start3A = tpu.memref_slice %arg7[%mul3A_11] : memref<10240xf32, #tpu.memory_space<vmem_shared>> -> memref<640xf32, #tpu.memory_space<vmem_shared>>
      %dma_start3A_22 = tpu.memref_slice %arg7[%mul3A_11] : memref<10240xf32, #tpu.memory_space<vmem_shared>> -> memref<640xf32, #tpu.memory_space<vmem_shared>>
      tpu.enqueue_dma source(%arg6 : memref<640xf32, #tpu.memory_space<vmem>>) target(%dma_start3A_22 : memref<640xf32, #tpu.memory_space<vmem_shared>>) target_semaphore(%run_scoped3A : memref<!tpu.dma_semaphore, #tpu.memory_space<semaphore_mem>>)
      %dma_wait3A = tpu.memref_slice %arg7[%mul3A_11] : memref<10240xf32, #tpu.memory_space<vmem_shared>> -> memref<640xf32, #tpu.memory_space<vmem_shared>>
      %dma_wait3A_23 = tpu.memref_slice %arg7[%mul3A_11] : memref<10240xf32, #tpu.memory_space<vmem_shared>> -> memref<640xf32, #tpu.memory_space<vmem_shared>>
      tpu.wait_dma2 semaphore(%run_scoped3A : memref<!tpu.dma_semaphore, #tpu.memory_space<semaphore_mem>>) src(%arg6 : memref<640xf32, #tpu.memory_space<vmem>>) dst(%dma_wait3A_23 : memref<640xf32, #tpu.memory_space<vmem_shared>>)
      tpu.yield
    }) : () -> ()
    %barrier3A = arith.constant 0 : index
    tpu.barrier barrier_id(%barrier3A)
    %scan3A_12 = arith.constant 0 : i32
    %scan3A_13 = arith.constant 80 : i32
    %scan3A_14 = arith.addi %scan3A_12, %scan3A_13 : i32
    %scan3A_15 = arith.constant 1 : i32
    scf.for %scan3A_22 = %scan3A_12 to %scan3A_14 step %scan3A_15  : i32 {
      "tpu.region"() ({
        %run_scoped3A = tpu.sem_alloc : memref<!tpu.dma_semaphore, #tpu.memory_space<semaphore_mem>>
        %dma_start3A = arith.constant 0 : i32
        %dma_start3A_23 = tpu.memref_slice %arg4[%scan3A_22, %dma_start3A] : memref<80x128xi32, #tpu.memory_space<vmem>> -> memref<1x128xi32, #tpu.memory_space<vmem>>
        %dma_start3A_24 = tpu.memref_squeeze %dma_start3A_23 : memref<1x128xi32, #tpu.memory_space<vmem>> -> memref<128xi32, #tpu.memory_space<vmem>>
        %dma_start3A_25 = arith.constant 0 : i32
        %dma_start3A_26 = tpu.memref_slice %arg7[%dma_start3A_25] : memref<10240xf32, #tpu.memory_space<vmem_shared>> -> memref<10240xf32, #tpu.memory_space<vmem_shared>>
        tpu.enqueue_indirect_dma source(%arg5 : memref<128xf32, #tpu.memory_space<vmem>>) target(%dma_start3A_26 : memref<10240xf32, #tpu.memory_space<vmem_shared>>) offsets(%dma_start3A_24 : memref<128xi32, #tpu.memory_space<vmem>>) semaphore(%run_scoped3A : memref<!tpu.dma_semaphore, #tpu.memory_space<semaphore_mem>>) {add = true}
        %dma_wait3A = arith.constant 0 : i32
        %dma_wait3A_27 = tpu.memref_slice %arg4[%scan3A_22, %dma_wait3A] : memref<80x128xi32, #tpu.memory_space<vmem>> -> memref<1x128xi32, #tpu.memory_space<vmem>>
        %dma_wait3A_28 = tpu.memref_squeeze %dma_wait3A_27 : memref<1x128xi32, #tpu.memory_space<vmem>> -> memref<128xi32, #tpu.memory_space<vmem>>
        %dma_wait3A_29 = arith.constant 0 : i32
        %dma_wait3A_30 = tpu.memref_slice %arg7[%dma_wait3A_29] : memref<10240xf32, #tpu.memory_space<vmem_shared>> -> memref<10240xf32, #tpu.memory_space<vmem_shared>>
        tpu.wait_indirect_dma semaphore(%run_scoped3A : memref<!tpu.dma_semaphore, #tpu.memory_space<semaphore_mem>>) src(%arg5 : memref<128xf32, #tpu.memory_space<vmem>>) dst(%dma_wait3A_30 : memref<10240xf32, #tpu.memory_space<vmem_shared>>)
        tpu.yield
      }) : () -> ()
    }
    %scan3A_16 = arith.constant 80 : i32
    %barrier3A_17 = arith.constant 0 : index
    tpu.barrier barrier_id(%barrier3A_17)
    %mul3A_18 = arith.constant 640 : i32
    %mul3A_19 = arith.muli %arg1, %mul3A_18 : i32
    %mul3A_20 = arith.constant 640 : i32
    %mul3A_21 = arith.muli %arg1, %mul3A_20 : i32
    "tpu.region"() ({
      %run_scoped3A = tpu.sem_alloc : memref<!tpu.dma_semaphore, #tpu.memory_space<semaphore_mem>>
      %dma_start3A = tpu.memref_slice %arg3[%arg0, %mul3A_21] : memref<2x10240xf32, #tpu.memory_space<hbm>> -> memref<1x640xf32, #tpu.memory_space<hbm>>
      %dma_start3A_22 = tpu.memref_squeeze %dma_start3A : memref<1x640xf32, #tpu.memory_space<hbm>> -> memref<640xf32, #tpu.memory_space<hbm>>
      %dma_start3A_23 = tpu.memref_slice %arg7[%mul3A_19] : memref<10240xf32, #tpu.memory_space<vmem_shared>> -> memref<640xf32, #tpu.memory_space<vmem_shared>>
      tpu.enqueue_dma source(%dma_start3A_23 : memref<640xf32, #tpu.memory_space<vmem_shared>>) target(%dma_start3A_22 : memref<640xf32, #tpu.memory_space<hbm>>) target_semaphore(%run_scoped3A : memref<!tpu.dma_semaphore, #tpu.memory_space<semaphore_mem>>)
      %dma_wait3A = tpu.memref_slice %arg3[%arg0, %mul3A_21] : memref<2x10240xf32, #tpu.memory_space<hbm>> -> memref<1x640xf32, #tpu.memory_space<hbm>>
      %dma_wait3A_24 = tpu.memref_squeeze %dma_wait3A : memref<1x640xf32, #tpu.memory_space<hbm>> -> memref<640xf32, #tpu.memory_space<hbm>>
      %dma_wait3A_25 = tpu.memref_slice %arg7[%mul3A_19] : memref<10240xf32, #tpu.memory_space<vmem_shared>> -> memref<640xf32, #tpu.memory_space<vmem_shared>>
      tpu.wait_dma2 semaphore(%run_scoped3A : memref<!tpu.dma_semaphore, #tpu.memory_space<semaphore_mem>>) src(%dma_wait3A_25 : memref<640xf32, #tpu.memory_space<vmem_shared>>) dst(%dma_wait3A_24 : memref<640xf32, #tpu.memory_space<hbm>>)
      tpu.yield
    }) : () -> ()
    return
  }
}

#map = affine_map<(d0, d1) -> (0, 0)>
#map1 = affine_map<(d0, d1) -> (0, 0, 0)>
module attributes {stable_mosaic.version = 14 : i64} {
  func.func @_agg_call(%arg0: i32, %arg1: i32, %arg2: memref<2560x128xi32, #tpu.memory_space<hbm>>, %arg3: memref<2560x128xi32, #tpu.memory_space<hbm>>, %arg4: memref<10240x128xf32, #tpu.memory_space<hbm>>, %arg5: memref<2x10240x128xf32, #tpu.memory_space<hbm>>, %arg6: memref<40x128xi32, #tpu.memory_space<vmem>>, %arg7: memref<40x128xi32, #tpu.memory_space<vmem>>, %arg8: memref<128x128xf32, #tpu.memory_space<vmem>>, %arg9: memref<128x128xf32, #tpu.memory_space<vmem>>, %arg10: memref<10240x128xf32, #tpu.memory_space<vmem_shared>>, %arg11: memref<!tpu.dma_semaphore, #tpu.memory_space<semaphore_mem>>, %arg12: memref<!tpu.dma_semaphore, #tpu.memory_space<semaphore_mem>>) attributes {dimension_semantics = [#tpu.dimension_semantics<core_parallel>, #tpu.dimension_semantics<subcore_parallel>], iteration_bounds = array<i64: 2, 16>, scalar_prefetch = 0 : i64, scratch_operands = 7 : i64, tpu.core_type = #tpu.core_type<sc_vector_subcore>, window_params = [{transform_indices = #map}, {transform_indices = #map}, {transform_indices = #map}, {transform_indices = #map1}]} {
    %scan3A = arith.constant 0 : i32
    %scan3A_0 = arith.constant 128 : i32
    %scan3A_1 = arith.addi %scan3A, %scan3A_0 : i32
    %scan3A_2 = arith.constant 1 : i32
    scf.for %scan3A_23 = %scan3A to %scan3A_1 step %scan3A_2  : i32 {
      %scan3A_24 = arith.constant 0 : i32
      %scan3A_25 = arith.constant 8 : i32
      %scan3A_26 = arith.addi %scan3A_24, %scan3A_25 : i32
      %scan3A_27 = arith.constant 1 : i32
      scf.for %scan3A_29 = %scan3A_24 to %scan3A_26 step %scan3A_27  : i32 {
        %broadcast_in_dim3A = arith.constant 0.000000e+00 : f32
        %broadcast_in_dim3A_30 = vector.broadcast %broadcast_in_dim3A : f32 to vector<16xf32>
        %mul3A_31 = arith.constant 16 : i32
        %mul3A_32 = arith.muli %scan3A_29, %mul3A_31 : i32
        %swap3A = arith.index_cast %scan3A_23 : i32 to index
        %swap3A_33 = arith.index_cast %mul3A_32 : i32 to index
        %swap3A_34 = tpu.vector_load %arg8[%swap3A, %swap3A_33] {strides = array<i32>} : memref<128x128xf32, #tpu.memory_space<vmem>>, vector<1x16xf32>,
        %swap3A_35 = vector.shape_cast %swap3A_34 : vector<1x16xf32> to vector<16xf32>
        %swap3A_36 = vector.shape_cast %broadcast_in_dim3A_30 : vector<16xf32> to vector<1x16xf32>
        tpu.vector_store %arg8[%swap3A, %swap3A_33], %swap3A_36 {strides = array<i32>} : memref<128x128xf32, #tpu.memory_space<vmem>>, vector<1x16xf32>,
      }
      %scan3A_28 = arith.constant 8 : i32
    }
    %scan3A_3 = arith.constant 128 : i32
    %scan3A_4 = arith.constant 0 : i32
    %scan3A_5 = arith.constant 5 : i32
    %scan3A_6 = arith.addi %scan3A_4, %scan3A_5 : i32
    %scan3A_7 = arith.constant 1 : i32
    scf.for %scan3A_23 = %scan3A_4 to %scan3A_6 step %scan3A_7  : i32 {
      %mul3A_24 = arith.constant 640 : i32
      %mul3A_25 = arith.muli %arg1, %mul3A_24 : i32
      %mul3A_26 = arith.constant 128 : i32
      %mul3A_27 = arith.muli %scan3A_23, %mul3A_26 : i32
      %add3A_28 = arith.addi %mul3A_25, %mul3A_27 : i32
      "tpu.region"() ({
        %run_scoped3A = tpu.sem_alloc : memref<!tpu.dma_semaphore, #tpu.memory_space<semaphore_mem>>
        %dma_start3A = arith.constant 0 : i32
        %dma_start3A_29 = tpu.memref_slice %arg10[%add3A_28, %dma_start3A] : memref<10240x128xf32, #tpu.memory_space<vmem_shared>> -> memref<128x128xf32, #tpu.memory_space<vmem_shared>>
        %dma_start3A_30 = arith.constant 0 : i32
        %dma_start3A_31 = tpu.memref_slice %arg10[%add3A_28, %dma_start3A_30] : memref<10240x128xf32, #tpu.memory_space<vmem_shared>> -> memref<128x128xf32, #tpu.memory_space<vmem_shared>>
        tpu.enqueue_dma source(%arg8 : memref<128x128xf32, #tpu.memory_space<vmem>>) target(%dma_start3A_31 : memref<128x128xf32, #tpu.memory_space<vmem_shared>>) target_semaphore(%run_scoped3A : memref<!tpu.dma_semaphore, #tpu.memory_space<semaphore_mem>>)
        %dma_wait3A = arith.constant 0 : i32
        %dma_wait3A_32 = tpu.memref_slice %arg10[%add3A_28, %dma_wait3A] : memref<10240x128xf32, #tpu.memory_space<vmem_shared>> -> memref<128x128xf32, #tpu.memory_space<vmem_shared>>
        %dma_wait3A_33 = arith.constant 0 : i32
        %dma_wait3A_34 = tpu.memref_slice %arg10[%add3A_28, %dma_wait3A_33] : memref<10240x128xf32, #tpu.memory_space<vmem_shared>> -> memref<128x128xf32, #tpu.memory_space<vmem_shared>>
        tpu.wait_dma2 semaphore(%run_scoped3A : memref<!tpu.dma_semaphore, #tpu.memory_space<semaphore_mem>>) src(%arg8 : memref<128x128xf32, #tpu.memory_space<vmem>>) dst(%dma_wait3A_34 : memref<128x128xf32, #tpu.memory_space<vmem_shared>>)
        tpu.yield
      }) : () -> ()
    }
    %scan3A_8 = arith.constant 5 : i32
    %barrier3A = arith.constant 0 : index
    tpu.barrier barrier_id(%barrier3A)
    %mul3A = arith.constant 2 : i32
    %mul3A_9 = arith.muli %arg1, %mul3A : i32
    %add3A = arith.addi %mul3A_9, %arg0 : i32
    %mul3A_10 = arith.constant 80 : i32
    %mul3A_11 = arith.muli %add3A, %mul3A_10 : i32
    %scan3A_12 = arith.constant 0 : i32
    %scan3A_13 = arith.constant 2 : i32
    %scan3A_14 = arith.addi %scan3A_12, %scan3A_13 : i32
    %scan3A_15 = arith.constant 1 : i32
    scf.for %scan3A_23 = %scan3A_12 to %scan3A_14 step %scan3A_15  : i32 {
      %mul3A_24 = arith.constant 40 : i32
      %mul3A_25 = arith.muli %scan3A_23, %mul3A_24 : i32
      %add3A_26 = arith.addi %mul3A_11, %mul3A_25 : i32
      "tpu.region"() ({
        %run_scoped3A = tpu.sem_alloc : memref<!tpu.dma_semaphore, #tpu.memory_space<semaphore_mem>>
        %dma_start3A_38 = arith.constant 0 : i32
        %dma_start3A_39 = tpu.memref_slice %arg2[%add3A_26, %dma_start3A_38] : memref<2560x128xi32, #tpu.memory_space<hbm>> -> memref<40x128xi32, #tpu.memory_space<hbm>>
        %dma_start3A_40 = arith.constant 0 : i32
        %dma_start3A_41 = tpu.memref_slice %arg2[%add3A_26, %dma_start3A_40] : memref<2560x128xi32, #tpu.memory_space<hbm>> -> memref<40x128xi32, #tpu.memory_space<hbm>>
        tpu.enqueue_dma source(%dma_start3A_41 : memref<40x128xi32, #tpu.memory_space<hbm>>) target(%arg6 : memref<40x128xi32, #tpu.memory_space<vmem>>) target_semaphore(%run_scoped3A : memref<!tpu.dma_semaphore, #tpu.memory_space<semaphore_mem>>)
        %dma_wait3A = arith.constant 0 : i32
        %dma_wait3A_42 = tpu.memref_slice %arg2[%add3A_26, %dma_wait3A] : memref<2560x128xi32, #tpu.memory_space<hbm>> -> memref<40x128xi32, #tpu.memory_space<hbm>>
        %dma_wait3A_43 = arith.constant 0 : i32
        %dma_wait3A_44 = tpu.memref_slice %arg2[%add3A_26, %dma_wait3A_43] : memref<2560x128xi32, #tpu.memory_space<hbm>> -> memref<40x128xi32, #tpu.memory_space<hbm>>
        tpu.wait_dma2 semaphore(%run_scoped3A : memref<!tpu.dma_semaphore, #tpu.memory_space<semaphore_mem>>) src(%dma_wait3A_44 : memref<40x128xi32, #tpu.memory_space<hbm>>) dst(%arg6 : memref<40x128xi32, #tpu.memory_space<vmem>>)
        tpu.yield
      }) : () -> ()
      "tpu.region"() ({
        %run_scoped3A = tpu.sem_alloc : memref<!tpu.dma_semaphore, #tpu.memory_space<semaphore_mem>>
        %dma_start3A_38 = arith.constant 0 : i32
        %dma_start3A_39 = tpu.memref_slice %arg3[%add3A_26, %dma_start3A_38] : memref<2560x128xi32, #tpu.memory_space<hbm>> -> memref<40x128xi32, #tpu.memory_space<hbm>>
        %dma_start3A_40 = arith.constant 0 : i32
        %dma_start3A_41 = tpu.memref_slice %arg3[%add3A_26, %dma_start3A_40] : memref<2560x128xi32, #tpu.memory_space<hbm>> -> memref<40x128xi32, #tpu.memory_space<hbm>>
        tpu.enqueue_dma source(%dma_start3A_41 : memref<40x128xi32, #tpu.memory_space<hbm>>) target(%arg7 : memref<40x128xi32, #tpu.memory_space<vmem>>) target_semaphore(%run_scoped3A : memref<!tpu.dma_semaphore, #tpu.memory_space<semaphore_mem>>)
        %dma_wait3A = arith.constant 0 : i32
        %dma_wait3A_42 = tpu.memref_slice %arg3[%add3A_26, %dma_wait3A] : memref<2560x128xi32, #tpu.memory_space<hbm>> -> memref<40x128xi32, #tpu.memory_space<hbm>>
        %dma_wait3A_43 = arith.constant 0 : i32
        %dma_wait3A_44 = tpu.memref_slice %arg3[%add3A_26, %dma_wait3A_43] : memref<2560x128xi32, #tpu.memory_space<hbm>> -> memref<40x128xi32, #tpu.memory_space<hbm>>
        tpu.wait_dma2 semaphore(%run_scoped3A : memref<!tpu.dma_semaphore, #tpu.memory_space<semaphore_mem>>) src(%dma_wait3A_44 : memref<40x128xi32, #tpu.memory_space<hbm>>) dst(%arg7 : memref<40x128xi32, #tpu.memory_space<vmem>>)
        tpu.yield
      }) : () -> ()
      %dma_start3A = arith.constant 0 : i32
      %dma_start3A_27 = arith.constant 0 : i32
      %dma_start3A_28 = tpu.memref_slice %arg6[%dma_start3A, %dma_start3A_27] : memref<40x128xi32, #tpu.memory_space<vmem>> -> memref<1x128xi32, #tpu.memory_space<vmem>>
      %dma_start3A_29 = tpu.memref_squeeze %dma_start3A_28 : memref<1x128xi32, #tpu.memory_space<vmem>> -> memref<128xi32, #tpu.memory_space<vmem>>
      %dma_start3A_30 = arith.constant 0 : i32
      %dma_start3A_31 = arith.constant 0 : i32
      %dma_start3A_32 = tpu.memref_slice %arg4[%dma_start3A_30, %dma_start3A_31] : memref<10240x128xf32, #tpu.memory_space<hbm>> -> memref<10240x128xf32, #tpu.memory_space<hbm>>
      tpu.enqueue_indirect_dma source(%dma_start3A_32 : memref<10240x128xf32, #tpu.memory_space<hbm>>) target(%arg8 : memref<128x128xf32, #tpu.memory_space<vmem>>) offsets(%dma_start3A_29 : memref<128xi32, #tpu.memory_space<vmem>>) semaphore(%arg11 : memref<!tpu.dma_semaphore, #tpu.memory_space<semaphore_mem>>)
      %scan3A_33 = arith.constant 0 : i32
      %scan3A_34 = arith.constant 20 : i32
      %scan3A_35 = arith.addi %scan3A_33, %scan3A_34 : i32
      %scan3A_36 = arith.constant 1 : i32
      scf.for %scan3A_38 = %scan3A_33 to %scan3A_35 step %scan3A_36  : i32 {
        %mul3A_39 = arith.constant 2 : i32
        %mul3A_40 = arith.muli %scan3A_38, %mul3A_39 : i32
        %add3A_41 = arith.constant 1 : i32
        %add3A_42 = arith.addi %mul3A_40, %add3A_41 : i32
        %dma_start3A_43 = arith.constant 0 : i32
        %dma_start3A_44 = tpu.memref_slice %arg6[%add3A_42, %dma_start3A_43] : memref<40x128xi32, #tpu.memory_space<vmem>> -> memref<1x128xi32, #tpu.memory_space<vmem>>
        %dma_start3A_45 = tpu.memref_squeeze %dma_start3A_44 : memref<1x128xi32, #tpu.memory_space<vmem>> -> memref<128xi32, #tpu.memory_space<vmem>>
        %dma_start3A_46 = arith.constant 0 : i32
        %dma_start3A_47 = arith.constant 0 : i32
        %dma_start3A_48 = tpu.memref_slice %arg4[%dma_start3A_46, %dma_start3A_47] : memref<10240x128xf32, #tpu.memory_space<hbm>> -> memref<10240x128xf32, #tpu.memory_space<hbm>>
        tpu.enqueue_indirect_dma source(%dma_start3A_48 : memref<10240x128xf32, #tpu.memory_space<hbm>>) target(%arg9 : memref<128x128xf32, #tpu.memory_space<vmem>>) offsets(%dma_start3A_45 : memref<128xi32, #tpu.memory_space<vmem>>) semaphore(%arg12 : memref<!tpu.dma_semaphore, #tpu.memory_space<semaphore_mem>>)
        %dma_wait3A = arith.constant 0 : i32
        %dma_wait3A_49 = tpu.memref_slice %arg6[%mul3A_40, %dma_wait3A] : memref<40x128xi32, #tpu.memory_space<vmem>> -> memref<1x128xi32, #tpu.memory_space<vmem>>
        %dma_wait3A_50 = tpu.memref_squeeze %dma_wait3A_49 : memref<1x128xi32, #tpu.memory_space<vmem>> -> memref<128xi32, #tpu.memory_space<vmem>>
        %dma_wait3A_51 = arith.constant 0 : i32
        %dma_wait3A_52 = arith.constant 0 : i32
        %dma_wait3A_53 = tpu.memref_slice %arg4[%dma_wait3A_51, %dma_wait3A_52] : memref<10240x128xf32, #tpu.memory_space<hbm>> -> memref<10240x128xf32, #tpu.memory_space<hbm>>
        tpu.wait_indirect_dma semaphore(%arg11 : memref<!tpu.dma_semaphore, #tpu.memory_space<semaphore_mem>>) src(%dma_wait3A_53 : memref<10240x128xf32, #tpu.memory_space<hbm>>) dst(%arg8 : memref<128x128xf32, #tpu.memory_space<vmem>>)
        "tpu.region"() ({
          %run_scoped3A = tpu.sem_alloc : memref<!tpu.dma_semaphore, #tpu.memory_space<semaphore_mem>>
          %dma_start3A_66 = arith.constant 0 : i32
          %dma_start3A_67 = tpu.memref_slice %arg7[%mul3A_40, %dma_start3A_66] : memref<40x128xi32, #tpu.memory_space<vmem>> -> memref<1x128xi32, #tpu.memory_space<vmem>>
          %dma_start3A_68 = tpu.memref_squeeze %dma_start3A_67 : memref<1x128xi32, #tpu.memory_space<vmem>> -> memref<128xi32, #tpu.memory_space<vmem>>
          %dma_start3A_69 = arith.constant 0 : i32
          %dma_start3A_70 = arith.constant 0 : i32
          %dma_start3A_71 = tpu.memref_slice %arg10[%dma_start3A_69, %dma_start3A_70] : memref<10240x128xf32, #tpu.memory_space<vmem_shared>> -> memref<10240x128xf32, #tpu.memory_space<vmem_shared>>
          tpu.enqueue_indirect_dma source(%arg8 : memref<128x128xf32, #tpu.memory_space<vmem>>) target(%dma_start3A_71 : memref<10240x128xf32, #tpu.memory_space<vmem_shared>>) offsets(%dma_start3A_68 : memref<128xi32, #tpu.memory_space<vmem>>) semaphore(%run_scoped3A : memref<!tpu.dma_semaphore, #tpu.memory_space<semaphore_mem>>) {add = true}
          %dma_wait3A_72 = arith.constant 0 : i32
          %dma_wait3A_73 = tpu.memref_slice %arg7[%mul3A_40, %dma_wait3A_72] : memref<40x128xi32, #tpu.memory_space<vmem>> -> memref<1x128xi32, #tpu.memory_space<vmem>>
          %dma_wait3A_74 = tpu.memref_squeeze %dma_wait3A_73 : memref<1x128xi32, #tpu.memory_space<vmem>> -> memref<128xi32, #tpu.memory_space<vmem>>
          %dma_wait3A_75 = arith.constant 0 : i32
          %dma_wait3A_76 = arith.constant 0 : i32
          %dma_wait3A_77 = tpu.memref_slice %arg10[%dma_wait3A_75, %dma_wait3A_76] : memref<10240x128xf32, #tpu.memory_space<vmem_shared>> -> memref<10240x128xf32, #tpu.memory_space<vmem_shared>>
          tpu.wait_indirect_dma semaphore(%run_scoped3A : memref<!tpu.dma_semaphore, #tpu.memory_space<semaphore_mem>>) src(%arg8 : memref<128x128xf32, #tpu.memory_space<vmem>>) dst(%dma_wait3A_77 : memref<10240x128xf32, #tpu.memory_space<vmem_shared>>)
          tpu.yield
        }) : () -> ()
        %add3A_54 = arith.constant 2 : i32
        %add3A_55 = arith.addi %mul3A_40, %add3A_54 : i32
        %lt3A = arith.constant 40 : i32
        %lt3A_56 = arith.cmpi slt, %add3A_55, %lt3A : i32
        %convert_element_type3A = arith.extui %lt3A_56 : i1 to i32
        %cond3A = arith.constant 0 : i32
        %cond3A_57 = arith.cmpi ne, %convert_element_type3A, %cond3A : i32
        scf.if %cond3A_57 {
          %add3A_66 = arith.constant 2 : i32
          %add3A_67 = arith.addi %mul3A_40, %add3A_66 : i32
          %dma_start3A_68 = arith.constant 0 : i32
          %dma_start3A_69 = tpu.memref_slice %arg6[%add3A_67, %dma_start3A_68] : memref<40x128xi32, #tpu.memory_space<vmem>> -> memref<1x128xi32, #tpu.memory_space<vmem>>
          %dma_start3A_70 = tpu.memref_squeeze %dma_start3A_69 : memref<1x128xi32, #tpu.memory_space<vmem>> -> memref<128xi32, #tpu.memory_space<vmem>>
          %dma_start3A_71 = arith.constant 0 : i32
          %dma_start3A_72 = arith.constant 0 : i32
          %dma_start3A_73 = tpu.memref_slice %arg4[%dma_start3A_71, %dma_start3A_72] : memref<10240x128xf32, #tpu.memory_space<hbm>> -> memref<10240x128xf32, #tpu.memory_space<hbm>>
          tpu.enqueue_indirect_dma source(%dma_start3A_73 : memref<10240x128xf32, #tpu.memory_space<hbm>>) target(%arg8 : memref<128x128xf32, #tpu.memory_space<vmem>>) offsets(%dma_start3A_70 : memref<128xi32, #tpu.memory_space<vmem>>) semaphore(%arg11 : memref<!tpu.dma_semaphore, #tpu.memory_space<semaphore_mem>>)
        } else {
        }
        %dma_wait3A_58 = arith.constant 0 : i32
        %dma_wait3A_59 = tpu.memref_slice %arg6[%add3A_42, %dma_wait3A_58] : memref<40x128xi32, #tpu.memory_space<vmem>> -> memref<1x128xi32, #tpu.memory_space<vmem>>
        %dma_wait3A_60 = tpu.memref_squeeze %dma_wait3A_59 : memref<1x128xi32, #tpu.memory_space<vmem>> -> memref<128xi32, #tpu.memory_space<vmem>>
        %dma_wait3A_61 = arith.constant 0 : i32
        %dma_wait3A_62 = arith.constant 0 : i32
        %dma_wait3A_63 = tpu.memref_slice %arg4[%dma_wait3A_61, %dma_wait3A_62] : memref<10240x128xf32, #tpu.memory_space<hbm>> -> memref<10240x128xf32, #tpu.memory_space<hbm>>
        tpu.wait_indirect_dma semaphore(%arg12 : memref<!tpu.dma_semaphore, #tpu.memory_space<semaphore_mem>>) src(%dma_wait3A_63 : memref<10240x128xf32, #tpu.memory_space<hbm>>) dst(%arg9 : memref<128x128xf32, #tpu.memory_space<vmem>>)
        %add3A_64 = arith.constant 1 : i32
        %add3A_65 = arith.addi %mul3A_40, %add3A_64 : i32
        "tpu.region"() ({
          %run_scoped3A = tpu.sem_alloc : memref<!tpu.dma_semaphore, #tpu.memory_space<semaphore_mem>>
          %dma_start3A_66 = arith.constant 0 : i32
          %dma_start3A_67 = tpu.memref_slice %arg7[%add3A_65, %dma_start3A_66] : memref<40x128xi32, #tpu.memory_space<vmem>> -> memref<1x128xi32, #tpu.memory_space<vmem>>
          %dma_start3A_68 = tpu.memref_squeeze %dma_start3A_67 : memref<1x128xi32, #tpu.memory_space<vmem>> -> memref<128xi32, #tpu.memory_space<vmem>>
          %dma_start3A_69 = arith.constant 0 : i32
          %dma_start3A_70 = arith.constant 0 : i32
          %dma_start3A_71 = tpu.memref_slice %arg10[%dma_start3A_69, %dma_start3A_70] : memref<10240x128xf32, #tpu.memory_space<vmem_shared>> -> memref<10240x128xf32, #tpu.memory_space<vmem_shared>>
          tpu.enqueue_indirect_dma source(%arg9 : memref<128x128xf32, #tpu.memory_space<vmem>>) target(%dma_start3A_71 : memref<10240x128xf32, #tpu.memory_space<vmem_shared>>) offsets(%dma_start3A_68 : memref<128xi32, #tpu.memory_space<vmem>>) semaphore(%run_scoped3A : memref<!tpu.dma_semaphore, #tpu.memory_space<semaphore_mem>>) {add = true}
          %dma_wait3A_72 = arith.constant 0 : i32
          %dma_wait3A_73 = tpu.memref_slice %arg7[%add3A_65, %dma_wait3A_72] : memref<40x128xi32, #tpu.memory_space<vmem>> -> memref<1x128xi32, #tpu.memory_space<vmem>>
          %dma_wait3A_74 = tpu.memref_squeeze %dma_wait3A_73 : memref<1x128xi32, #tpu.memory_space<vmem>> -> memref<128xi32, #tpu.memory_space<vmem>>
          %dma_wait3A_75 = arith.constant 0 : i32
          %dma_wait3A_76 = arith.constant 0 : i32
          %dma_wait3A_77 = tpu.memref_slice %arg10[%dma_wait3A_75, %dma_wait3A_76] : memref<10240x128xf32, #tpu.memory_space<vmem_shared>> -> memref<10240x128xf32, #tpu.memory_space<vmem_shared>>
          tpu.wait_indirect_dma semaphore(%run_scoped3A : memref<!tpu.dma_semaphore, #tpu.memory_space<semaphore_mem>>) src(%arg9 : memref<128x128xf32, #tpu.memory_space<vmem>>) dst(%dma_wait3A_77 : memref<10240x128xf32, #tpu.memory_space<vmem_shared>>)
          tpu.yield
        }) : () -> ()
      }
      %scan3A_37 = arith.constant 20 : i32
    }
    %scan3A_16 = arith.constant 2 : i32
    %barrier3A_17 = arith.constant 0 : index
    tpu.barrier barrier_id(%barrier3A_17)
    %scan3A_18 = arith.constant 0 : i32
    %scan3A_19 = arith.constant 5 : i32
    %scan3A_20 = arith.addi %scan3A_18, %scan3A_19 : i32
    %scan3A_21 = arith.constant 1 : i32
    scf.for %scan3A_23 = %scan3A_18 to %scan3A_20 step %scan3A_21  : i32 {
      %mul3A_24 = arith.constant 640 : i32
      %mul3A_25 = arith.muli %arg1, %mul3A_24 : i32
      %mul3A_26 = arith.constant 128 : i32
      %mul3A_27 = arith.muli %scan3A_23, %mul3A_26 : i32
      %add3A_28 = arith.addi %mul3A_25, %mul3A_27 : i32
      "tpu.region"() ({
        %run_scoped3A = tpu.sem_alloc : memref<!tpu.dma_semaphore, #tpu.memory_space<semaphore_mem>>
        %dma_start3A = arith.constant 0 : i32
        %dma_start3A_29 = tpu.memref_slice %arg5[%arg0, %add3A_28, %dma_start3A] : memref<2x10240x128xf32, #tpu.memory_space<hbm>> -> memref<1x128x128xf32, #tpu.memory_space<hbm>>
        %dma_start3A_30 = tpu.memref_squeeze %dma_start3A_29 : memref<1x128x128xf32, #tpu.memory_space<hbm>> -> memref<128x128xf32, #tpu.memory_space<hbm>>
        %dma_start3A_31 = arith.constant 0 : i32
        %dma_start3A_32 = tpu.memref_slice %arg10[%add3A_28, %dma_start3A_31] : memref<10240x128xf32, #tpu.memory_space<vmem_shared>> -> memref<128x128xf32, #tpu.memory_space<vmem_shared>>
        tpu.enqueue_dma source(%dma_start3A_32 : memref<128x128xf32, #tpu.memory_space<vmem_shared>>) target(%dma_start3A_30 : memref<128x128xf32, #tpu.memory_space<hbm>>) target_semaphore(%run_scoped3A : memref<!tpu.dma_semaphore, #tpu.memory_space<semaphore_mem>>)
        %dma_wait3A = arith.constant 0 : i32
        %dma_wait3A_33 = tpu.memref_slice %arg5[%arg0, %add3A_28, %dma_wait3A] : memref<2x10240x128xf32, #tpu.memory_space<hbm>> -> memref<1x128x128xf32, #tpu.memory_space<hbm>>
        %dma_wait3A_34 = tpu.memref_squeeze %dma_wait3A_33 : memref<1x128x128xf32, #tpu.memory_space<hbm>> -> memref<128x128xf32, #tpu.memory_space<hbm>>
        %dma_wait3A_35 = arith.constant 0 : i32
        %dma_wait3A_36 = tpu.memref_slice %arg10[%add3A_28, %dma_wait3A_35] : memref<10240x128xf32, #tpu.memory_space<vmem_shared>> -> memref<128x128xf32, #tpu.memory_space<vmem_shared>>
        tpu.wait_dma2 semaphore(%run_scoped3A : memref<!tpu.dma_semaphore, #tpu.memory_space<semaphore_mem>>) src(%dma_wait3A_36 : memref<128x128xf32, #tpu.memory_space<vmem_shared>>) dst(%dma_wait3A_34 : memref<128x128xf32, #tpu.memory_space<hbm>>)
        tpu.yield
      }) : () -> ()
    }
    %scan3A_22 = arith.constant 5 : i32
    return
  }
}

#map = affine_map<(d0, d1) -> (0, 0)>
#map1 = affine_map<(d0, d1) -> (0, 0, 0)>
module attributes {stable_mosaic.version = 14 : i64} {
  func.func @_agg_call(%arg0: i32, %arg1: i32, %arg2: memref<2560x128xi32, #tpu.memory_space<hbm>>, %arg3: memref<2560x128xi32, #tpu.memory_space<hbm>>, %arg4: memref<10240x128xf32, #tpu.memory_space<hbm>>, %arg5: memref<2x10240x128xf32, #tpu.memory_space<hbm>>, %arg6: memref<40x128xi32, #tpu.memory_space<vmem>>, %arg7: memref<40x128xi32, #tpu.memory_space<vmem>>, %arg8: memref<128x128xf32, #tpu.memory_space<vmem>>, %arg9: memref<128x128xf32, #tpu.memory_space<vmem>>, %arg10: memref<10240x128xf32, #tpu.memory_space<vmem_shared>>, %arg11: memref<!tpu.dma_semaphore, #tpu.memory_space<semaphore_mem>>, %arg12: memref<!tpu.dma_semaphore, #tpu.memory_space<semaphore_mem>>) attributes {dimension_semantics = [#tpu.dimension_semantics<core_parallel>, #tpu.dimension_semantics<subcore_parallel>], iteration_bounds = array<i64: 2, 16>, scalar_prefetch = 0 : i64, scratch_operands = 7 : i64, tpu.core_type = #tpu.core_type<sc_vector_subcore>, window_params = [{transform_indices = #map}, {transform_indices = #map}, {transform_indices = #map}, {transform_indices = #map1}]} {
    %scan3A = arith.constant 0 : i32
    %scan3A_0 = arith.constant 128 : i32
    %scan3A_1 = arith.addi %scan3A, %scan3A_0 : i32
    %scan3A_2 = arith.constant 1 : i32
    scf.for %scan3A_23 = %scan3A to %scan3A_1 step %scan3A_2  : i32 {
      %scan3A_24 = arith.constant 0 : i32
      %scan3A_25 = arith.constant 8 : i32
      %scan3A_26 = arith.addi %scan3A_24, %scan3A_25 : i32
      %scan3A_27 = arith.constant 1 : i32
      scf.for %scan3A_29 = %scan3A_24 to %scan3A_26 step %scan3A_27  : i32 {
        %broadcast_in_dim3A = arith.constant 0.000000e+00 : f32
        %broadcast_in_dim3A_30 = vector.broadcast %broadcast_in_dim3A : f32 to vector<16xf32>
        %mul3A_31 = arith.constant 16 : i32
        %mul3A_32 = arith.muli %scan3A_29, %mul3A_31 : i32
        %swap3A = arith.index_cast %scan3A_23 : i32 to index
        %swap3A_33 = arith.index_cast %mul3A_32 : i32 to index
        %swap3A_34 = tpu.vector_load %arg8[%swap3A, %swap3A_33] {strides = array<i32>} : memref<128x128xf32, #tpu.memory_space<vmem>>, vector<1x16xf32>,
        %swap3A_35 = vector.shape_cast %swap3A_34 : vector<1x16xf32> to vector<16xf32>
        %swap3A_36 = vector.shape_cast %broadcast_in_dim3A_30 : vector<16xf32> to vector<1x16xf32>
        tpu.vector_store %arg8[%swap3A, %swap3A_33], %swap3A_36 {strides = array<i32>} : memref<128x128xf32, #tpu.memory_space<vmem>>, vector<1x16xf32>,
      }
      %scan3A_28 = arith.constant 8 : i32
    }
    %scan3A_3 = arith.constant 128 : i32
    %scan3A_4 = arith.constant 0 : i32
    %scan3A_5 = arith.constant 5 : i32
    %scan3A_6 = arith.addi %scan3A_4, %scan3A_5 : i32
    %scan3A_7 = arith.constant 1 : i32
    scf.for %scan3A_23 = %scan3A_4 to %scan3A_6 step %scan3A_7  : i32 {
      %mul3A_24 = arith.constant 640 : i32
      %mul3A_25 = arith.muli %arg1, %mul3A_24 : i32
      %mul3A_26 = arith.constant 128 : i32
      %mul3A_27 = arith.muli %scan3A_23, %mul3A_26 : i32
      %add3A_28 = arith.addi %mul3A_25, %mul3A_27 : i32
      "tpu.region"() ({
        %run_scoped3A = tpu.sem_alloc : memref<!tpu.dma_semaphore, #tpu.memory_space<semaphore_mem>>
        %dma_start3A = arith.constant 0 : i32
        %dma_start3A_29 = tpu.memref_slice %arg10[%add3A_28, %dma_start3A] : memref<10240x128xf32, #tpu.memory_space<vmem_shared>> -> memref<128x128xf32, #tpu.memory_space<vmem_shared>>
        %dma_start3A_30 = arith.constant 0 : i32
        %dma_start3A_31 = tpu.memref_slice %arg10[%add3A_28, %dma_start3A_30] : memref<10240x128xf32, #tpu.memory_space<vmem_shared>> -> memref<128x128xf32, #tpu.memory_space<vmem_shared>>
        tpu.enqueue_dma source(%arg8 : memref<128x128xf32, #tpu.memory_space<vmem>>) target(%dma_start3A_31 : memref<128x128xf32, #tpu.memory_space<vmem_shared>>) target_semaphore(%run_scoped3A : memref<!tpu.dma_semaphore, #tpu.memory_space<semaphore_mem>>)
        %dma_wait3A = arith.constant 0 : i32
        %dma_wait3A_32 = tpu.memref_slice %arg10[%add3A_28, %dma_wait3A] : memref<10240x128xf32, #tpu.memory_space<vmem_shared>> -> memref<128x128xf32, #tpu.memory_space<vmem_shared>>
        %dma_wait3A_33 = arith.constant 0 : i32
        %dma_wait3A_34 = tpu.memref_slice %arg10[%add3A_28, %dma_wait3A_33] : memref<10240x128xf32, #tpu.memory_space<vmem_shared>> -> memref<128x128xf32, #tpu.memory_space<vmem_shared>>
        tpu.wait_dma2 semaphore(%run_scoped3A : memref<!tpu.dma_semaphore, #tpu.memory_space<semaphore_mem>>) src(%arg8 : memref<128x128xf32, #tpu.memory_space<vmem>>) dst(%dma_wait3A_34 : memref<128x128xf32, #tpu.memory_space<vmem_shared>>)
        tpu.yield
      }) : () -> ()
    }
    %scan3A_8 = arith.constant 5 : i32
    %barrier3A = arith.constant 0 : index
    tpu.barrier barrier_id(%barrier3A)
    %mul3A = arith.constant 2 : i32
    %mul3A_9 = arith.muli %arg1, %mul3A : i32
    %add3A = arith.addi %mul3A_9, %arg0 : i32
    %mul3A_10 = arith.constant 80 : i32
    %mul3A_11 = arith.muli %add3A, %mul3A_10 : i32
    %scan3A_12 = arith.constant 0 : i32
    %scan3A_13 = arith.constant 2 : i32
    %scan3A_14 = arith.addi %scan3A_12, %scan3A_13 : i32
    %scan3A_15 = arith.constant 1 : i32
    scf.for %scan3A_23 = %scan3A_12 to %scan3A_14 step %scan3A_15  : i32 {
      %mul3A_24 = arith.constant 40 : i32
      %mul3A_25 = arith.muli %scan3A_23, %mul3A_24 : i32
      %add3A_26 = arith.addi %mul3A_11, %mul3A_25 : i32
      "tpu.region"() ({
        %run_scoped3A = tpu.sem_alloc : memref<!tpu.dma_semaphore, #tpu.memory_space<semaphore_mem>>
        %dma_start3A_38 = arith.constant 0 : i32
        %dma_start3A_39 = tpu.memref_slice %arg2[%add3A_26, %dma_start3A_38] : memref<2560x128xi32, #tpu.memory_space<hbm>> -> memref<40x128xi32, #tpu.memory_space<hbm>>
        %dma_start3A_40 = arith.constant 0 : i32
        %dma_start3A_41 = tpu.memref_slice %arg2[%add3A_26, %dma_start3A_40] : memref<2560x128xi32, #tpu.memory_space<hbm>> -> memref<40x128xi32, #tpu.memory_space<hbm>>
        tpu.enqueue_dma source(%dma_start3A_41 : memref<40x128xi32, #tpu.memory_space<hbm>>) target(%arg6 : memref<40x128xi32, #tpu.memory_space<vmem>>) target_semaphore(%run_scoped3A : memref<!tpu.dma_semaphore, #tpu.memory_space<semaphore_mem>>)
        %dma_wait3A = arith.constant 0 : i32
        %dma_wait3A_42 = tpu.memref_slice %arg2[%add3A_26, %dma_wait3A] : memref<2560x128xi32, #tpu.memory_space<hbm>> -> memref<40x128xi32, #tpu.memory_space<hbm>>
        %dma_wait3A_43 = arith.constant 0 : i32
        %dma_wait3A_44 = tpu.memref_slice %arg2[%add3A_26, %dma_wait3A_43] : memref<2560x128xi32, #tpu.memory_space<hbm>> -> memref<40x128xi32, #tpu.memory_space<hbm>>
        tpu.wait_dma2 semaphore(%run_scoped3A : memref<!tpu.dma_semaphore, #tpu.memory_space<semaphore_mem>>) src(%dma_wait3A_44 : memref<40x128xi32, #tpu.memory_space<hbm>>) dst(%arg6 : memref<40x128xi32, #tpu.memory_space<vmem>>)
        tpu.yield
      }) : () -> ()
      "tpu.region"() ({
        %run_scoped3A = tpu.sem_alloc : memref<!tpu.dma_semaphore, #tpu.memory_space<semaphore_mem>>
        %dma_start3A_38 = arith.constant 0 : i32
        %dma_start3A_39 = tpu.memref_slice %arg3[%add3A_26, %dma_start3A_38] : memref<2560x128xi32, #tpu.memory_space<hbm>> -> memref<40x128xi32, #tpu.memory_space<hbm>>
        %dma_start3A_40 = arith.constant 0 : i32
        %dma_start3A_41 = tpu.memref_slice %arg3[%add3A_26, %dma_start3A_40] : memref<2560x128xi32, #tpu.memory_space<hbm>> -> memref<40x128xi32, #tpu.memory_space<hbm>>
        tpu.enqueue_dma source(%dma_start3A_41 : memref<40x128xi32, #tpu.memory_space<hbm>>) target(%arg7 : memref<40x128xi32, #tpu.memory_space<vmem>>) target_semaphore(%run_scoped3A : memref<!tpu.dma_semaphore, #tpu.memory_space<semaphore_mem>>)
        %dma_wait3A = arith.constant 0 : i32
        %dma_wait3A_42 = tpu.memref_slice %arg3[%add3A_26, %dma_wait3A] : memref<2560x128xi32, #tpu.memory_space<hbm>> -> memref<40x128xi32, #tpu.memory_space<hbm>>
        %dma_wait3A_43 = arith.constant 0 : i32
        %dma_wait3A_44 = tpu.memref_slice %arg3[%add3A_26, %dma_wait3A_43] : memref<2560x128xi32, #tpu.memory_space<hbm>> -> memref<40x128xi32, #tpu.memory_space<hbm>>
        tpu.wait_dma2 semaphore(%run_scoped3A : memref<!tpu.dma_semaphore, #tpu.memory_space<semaphore_mem>>) src(%dma_wait3A_44 : memref<40x128xi32, #tpu.memory_space<hbm>>) dst(%arg7 : memref<40x128xi32, #tpu.memory_space<vmem>>)
        tpu.yield
      }) : () -> ()
      %dma_start3A = arith.constant 0 : i32
      %dma_start3A_27 = arith.constant 0 : i32
      %dma_start3A_28 = tpu.memref_slice %arg6[%dma_start3A, %dma_start3A_27] : memref<40x128xi32, #tpu.memory_space<vmem>> -> memref<1x128xi32, #tpu.memory_space<vmem>>
      %dma_start3A_29 = tpu.memref_squeeze %dma_start3A_28 : memref<1x128xi32, #tpu.memory_space<vmem>> -> memref<128xi32, #tpu.memory_space<vmem>>
      %dma_start3A_30 = arith.constant 0 : i32
      %dma_start3A_31 = arith.constant 0 : i32
      %dma_start3A_32 = tpu.memref_slice %arg4[%dma_start3A_30, %dma_start3A_31] : memref<10240x128xf32, #tpu.memory_space<hbm>> -> memref<10240x128xf32, #tpu.memory_space<hbm>>
      tpu.enqueue_indirect_dma source(%dma_start3A_32 : memref<10240x128xf32, #tpu.memory_space<hbm>>) target(%arg8 : memref<128x128xf32, #tpu.memory_space<vmem>>) offsets(%dma_start3A_29 : memref<128xi32, #tpu.memory_space<vmem>>) semaphore(%arg11 : memref<!tpu.dma_semaphore, #tpu.memory_space<semaphore_mem>>)
      %scan3A_33 = arith.constant 0 : i32
      %scan3A_34 = arith.constant 20 : i32
      %scan3A_35 = arith.addi %scan3A_33, %scan3A_34 : i32
      %scan3A_36 = arith.constant 1 : i32
      scf.for %scan3A_38 = %scan3A_33 to %scan3A_35 step %scan3A_36  : i32 {
        %mul3A_39 = arith.constant 2 : i32
        %mul3A_40 = arith.muli %scan3A_38, %mul3A_39 : i32
        %add3A_41 = arith.constant 1 : i32
        %add3A_42 = arith.addi %mul3A_40, %add3A_41 : i32
        %dma_start3A_43 = arith.constant 0 : i32
        %dma_start3A_44 = tpu.memref_slice %arg6[%add3A_42, %dma_start3A_43] : memref<40x128xi32, #tpu.memory_space<vmem>> -> memref<1x128xi32, #tpu.memory_space<vmem>>
        %dma_start3A_45 = tpu.memref_squeeze %dma_start3A_44 : memref<1x128xi32, #tpu.memory_space<vmem>> -> memref<128xi32, #tpu.memory_space<vmem>>
        %dma_start3A_46 = arith.constant 0 : i32
        %dma_start3A_47 = arith.constant 0 : i32
        %dma_start3A_48 = tpu.memref_slice %arg4[%dma_start3A_46, %dma_start3A_47] : memref<10240x128xf32, #tpu.memory_space<hbm>> -> memref<10240x128xf32, #tpu.memory_space<hbm>>
        tpu.enqueue_indirect_dma source(%dma_start3A_48 : memref<10240x128xf32, #tpu.memory_space<hbm>>) target(%arg9 : memref<128x128xf32, #tpu.memory_space<vmem>>) offsets(%dma_start3A_45 : memref<128xi32, #tpu.memory_space<vmem>>) semaphore(%arg12 : memref<!tpu.dma_semaphore, #tpu.memory_space<semaphore_mem>>)
        %dma_wait3A = arith.constant 0 : i32
        %dma_wait3A_49 = tpu.memref_slice %arg6[%mul3A_40, %dma_wait3A] : memref<40x128xi32, #tpu.memory_space<vmem>> -> memref<1x128xi32, #tpu.memory_space<vmem>>
        %dma_wait3A_50 = tpu.memref_squeeze %dma_wait3A_49 : memref<1x128xi32, #tpu.memory_space<vmem>> -> memref<128xi32, #tpu.memory_space<vmem>>
        %dma_wait3A_51 = arith.constant 0 : i32
        %dma_wait3A_52 = arith.constant 0 : i32
        %dma_wait3A_53 = tpu.memref_slice %arg4[%dma_wait3A_51, %dma_wait3A_52] : memref<10240x128xf32, #tpu.memory_space<hbm>> -> memref<10240x128xf32, #tpu.memory_space<hbm>>
        tpu.wait_indirect_dma semaphore(%arg11 : memref<!tpu.dma_semaphore, #tpu.memory_space<semaphore_mem>>) src(%dma_wait3A_53 : memref<10240x128xf32, #tpu.memory_space<hbm>>) dst(%arg8 : memref<128x128xf32, #tpu.memory_space<vmem>>)
        "tpu.region"() ({
          %run_scoped3A = tpu.sem_alloc : memref<!tpu.dma_semaphore, #tpu.memory_space<semaphore_mem>>
          %dma_start3A_66 = arith.constant 0 : i32
          %dma_start3A_67 = tpu.memref_slice %arg7[%mul3A_40, %dma_start3A_66] : memref<40x128xi32, #tpu.memory_space<vmem>> -> memref<1x128xi32, #tpu.memory_space<vmem>>
          %dma_start3A_68 = tpu.memref_squeeze %dma_start3A_67 : memref<1x128xi32, #tpu.memory_space<vmem>> -> memref<128xi32, #tpu.memory_space<vmem>>
          %dma_start3A_69 = arith.constant 0 : i32
          %dma_start3A_70 = arith.constant 0 : i32
          %dma_start3A_71 = tpu.memref_slice %arg10[%dma_start3A_69, %dma_start3A_70] : memref<10240x128xf32, #tpu.memory_space<vmem_shared>> -> memref<10240x128xf32, #tpu.memory_space<vmem_shared>>
          tpu.enqueue_indirect_dma source(%arg8 : memref<128x128xf32, #tpu.memory_space<vmem>>) target(%dma_start3A_71 : memref<10240x128xf32, #tpu.memory_space<vmem_shared>>) offsets(%dma_start3A_68 : memref<128xi32, #tpu.memory_space<vmem>>) semaphore(%run_scoped3A : memref<!tpu.dma_semaphore, #tpu.memory_space<semaphore_mem>>) {add = true}
          %dma_wait3A_72 = arith.constant 0 : i32
          %dma_wait3A_73 = tpu.memref_slice %arg7[%mul3A_40, %dma_wait3A_72] : memref<40x128xi32, #tpu.memory_space<vmem>> -> memref<1x128xi32, #tpu.memory_space<vmem>>
          %dma_wait3A_74 = tpu.memref_squeeze %dma_wait3A_73 : memref<1x128xi32, #tpu.memory_space<vmem>> -> memref<128xi32, #tpu.memory_space<vmem>>
          %dma_wait3A_75 = arith.constant 0 : i32
          %dma_wait3A_76 = arith.constant 0 : i32
          %dma_wait3A_77 = tpu.memref_slice %arg10[%dma_wait3A_75, %dma_wait3A_76] : memref<10240x128xf32, #tpu.memory_space<vmem_shared>> -> memref<10240x128xf32, #tpu.memory_space<vmem_shared>>
          tpu.wait_indirect_dma semaphore(%run_scoped3A : memref<!tpu.dma_semaphore, #tpu.memory_space<semaphore_mem>>) src(%arg8 : memref<128x128xf32, #tpu.memory_space<vmem>>) dst(%dma_wait3A_77 : memref<10240x128xf32, #tpu.memory_space<vmem_shared>>)
          tpu.yield
        }) : () -> ()
        %add3A_54 = arith.constant 2 : i32
        %add3A_55 = arith.addi %mul3A_40, %add3A_54 : i32
        %lt3A = arith.constant 40 : i32
        %lt3A_56 = arith.cmpi slt, %add3A_55, %lt3A : i32
        %convert_element_type3A = arith.extui %lt3A_56 : i1 to i32
        %cond3A = arith.constant 0 : i32
        %cond3A_57 = arith.cmpi ne, %convert_element_type3A, %cond3A : i32
        scf.if %cond3A_57 {
          %add3A_66 = arith.constant 2 : i32
          %add3A_67 = arith.addi %mul3A_40, %add3A_66 : i32
          %dma_start3A_68 = arith.constant 0 : i32
          %dma_start3A_69 = tpu.memref_slice %arg6[%add3A_67, %dma_start3A_68] : memref<40x128xi32, #tpu.memory_space<vmem>> -> memref<1x128xi32, #tpu.memory_space<vmem>>
          %dma_start3A_70 = tpu.memref_squeeze %dma_start3A_69 : memref<1x128xi32, #tpu.memory_space<vmem>> -> memref<128xi32, #tpu.memory_space<vmem>>
          %dma_start3A_71 = arith.constant 0 : i32
          %dma_start3A_72 = arith.constant 0 : i32
          %dma_start3A_73 = tpu.memref_slice %arg4[%dma_start3A_71, %dma_start3A_72] : memref<10240x128xf32, #tpu.memory_space<hbm>> -> memref<10240x128xf32, #tpu.memory_space<hbm>>
          tpu.enqueue_indirect_dma source(%dma_start3A_73 : memref<10240x128xf32, #tpu.memory_space<hbm>>) target(%arg8 : memref<128x128xf32, #tpu.memory_space<vmem>>) offsets(%dma_start3A_70 : memref<128xi32, #tpu.memory_space<vmem>>) semaphore(%arg11 : memref<!tpu.dma_semaphore, #tpu.memory_space<semaphore_mem>>)
        } else {
        }
        %dma_wait3A_58 = arith.constant 0 : i32
        %dma_wait3A_59 = tpu.memref_slice %arg6[%add3A_42, %dma_wait3A_58] : memref<40x128xi32, #tpu.memory_space<vmem>> -> memref<1x128xi32, #tpu.memory_space<vmem>>
        %dma_wait3A_60 = tpu.memref_squeeze %dma_wait3A_59 : memref<1x128xi32, #tpu.memory_space<vmem>> -> memref<128xi32, #tpu.memory_space<vmem>>
        %dma_wait3A_61 = arith.constant 0 : i32
        %dma_wait3A_62 = arith.constant 0 : i32
        %dma_wait3A_63 = tpu.memref_slice %arg4[%dma_wait3A_61, %dma_wait3A_62] : memref<10240x128xf32, #tpu.memory_space<hbm>> -> memref<10240x128xf32, #tpu.memory_space<hbm>>
        tpu.wait_indirect_dma semaphore(%arg12 : memref<!tpu.dma_semaphore, #tpu.memory_space<semaphore_mem>>) src(%dma_wait3A_63 : memref<10240x128xf32, #tpu.memory_space<hbm>>) dst(%arg9 : memref<128x128xf32, #tpu.memory_space<vmem>>)
        %add3A_64 = arith.constant 1 : i32
        %add3A_65 = arith.addi %mul3A_40, %add3A_64 : i32
        "tpu.region"() ({
          %run_scoped3A = tpu.sem_alloc : memref<!tpu.dma_semaphore, #tpu.memory_space<semaphore_mem>>
          %dma_start3A_66 = arith.constant 0 : i32
          %dma_start3A_67 = tpu.memref_slice %arg7[%add3A_65, %dma_start3A_66] : memref<40x128xi32, #tpu.memory_space<vmem>> -> memref<1x128xi32, #tpu.memory_space<vmem>>
          %dma_start3A_68 = tpu.memref_squeeze %dma_start3A_67 : memref<1x128xi32, #tpu.memory_space<vmem>> -> memref<128xi32, #tpu.memory_space<vmem>>
          %dma_start3A_69 = arith.constant 0 : i32
          %dma_start3A_70 = arith.constant 0 : i32
          %dma_start3A_71 = tpu.memref_slice %arg10[%dma_start3A_69, %dma_start3A_70] : memref<10240x128xf32, #tpu.memory_space<vmem_shared>> -> memref<10240x128xf32, #tpu.memory_space<vmem_shared>>
          tpu.enqueue_indirect_dma source(%arg9 : memref<128x128xf32, #tpu.memory_space<vmem>>) target(%dma_start3A_71 : memref<10240x128xf32, #tpu.memory_space<vmem_shared>>) offsets(%dma_start3A_68 : memref<128xi32, #tpu.memory_space<vmem>>) semaphore(%run_scoped3A : memref<!tpu.dma_semaphore, #tpu.memory_space<semaphore_mem>>) {add = true}
          %dma_wait3A_72 = arith.constant 0 : i32
          %dma_wait3A_73 = tpu.memref_slice %arg7[%add3A_65, %dma_wait3A_72] : memref<40x128xi32, #tpu.memory_space<vmem>> -> memref<1x128xi32, #tpu.memory_space<vmem>>
          %dma_wait3A_74 = tpu.memref_squeeze %dma_wait3A_73 : memref<1x128xi32, #tpu.memory_space<vmem>> -> memref<128xi32, #tpu.memory_space<vmem>>
          %dma_wait3A_75 = arith.constant 0 : i32
          %dma_wait3A_76 = arith.constant 0 : i32
          %dma_wait3A_77 = tpu.memref_slice %arg10[%dma_wait3A_75, %dma_wait3A_76] : memref<10240x128xf32, #tpu.memory_space<vmem_shared>> -> memref<10240x128xf32, #tpu.memory_space<vmem_shared>>
          tpu.wait_indirect_dma semaphore(%run_scoped3A : memref<!tpu.dma_semaphore, #tpu.memory_space<semaphore_mem>>) src(%arg9 : memref<128x128xf32, #tpu.memory_space<vmem>>) dst(%dma_wait3A_77 : memref<10240x128xf32, #tpu.memory_space<vmem_shared>>)
          tpu.yield
        }) : () -> ()
      }
      %scan3A_37 = arith.constant 20 : i32
    }
    %scan3A_16 = arith.constant 2 : i32
    %barrier3A_17 = arith.constant 0 : index
    tpu.barrier barrier_id(%barrier3A_17)
    %scan3A_18 = arith.constant 0 : i32
    %scan3A_19 = arith.constant 5 : i32
    %scan3A_20 = arith.addi %scan3A_18, %scan3A_19 : i32
    %scan3A_21 = arith.constant 1 : i32
    scf.for %scan3A_23 = %scan3A_18 to %scan3A_20 step %scan3A_21  : i32 {
      %mul3A_24 = arith.constant 640 : i32
      %mul3A_25 = arith.muli %arg1, %mul3A_24 : i32
      %mul3A_26 = arith.constant 128 : i32
      %mul3A_27 = arith.muli %scan3A_23, %mul3A_26 : i32
      %add3A_28 = arith.addi %mul3A_25, %mul3A_27 : i32
      "tpu.region"() ({
        %run_scoped3A = tpu.sem_alloc : memref<!tpu.dma_semaphore, #tpu.memory_space<semaphore_mem>>
        %dma_start3A = arith.constant 0 : i32
        %dma_start3A_29 = tpu.memref_slice %arg5[%arg0, %add3A_28, %dma_start3A] : memref<2x10240x128xf32, #tpu.memory_space<hbm>> -> memref<1x128x128xf32, #tpu.memory_space<hbm>>
        %dma_start3A_30 = tpu.memref_squeeze %dma_start3A_29 : memref<1x128x128xf32, #tpu.memory_space<hbm>> -> memref<128x128xf32, #tpu.memory_space<hbm>>
        %dma_start3A_31 = arith.constant 0 : i32
        %dma_start3A_32 = tpu.memref_slice %arg10[%add3A_28, %dma_start3A_31] : memref<10240x128xf32, #tpu.memory_space<vmem_shared>> -> memref<128x128xf32, #tpu.memory_space<vmem_shared>>
        tpu.enqueue_dma source(%dma_start3A_32 : memref<128x128xf32, #tpu.memory_space<vmem_shared>>) target(%dma_start3A_30 : memref<128x128xf32, #tpu.memory_space<hbm>>) target_semaphore(%run_scoped3A : memref<!tpu.dma_semaphore, #tpu.memory_space<semaphore_mem>>)
        %dma_wait3A = arith.constant 0 : i32
        %dma_wait3A_33 = tpu.memref_slice %arg5[%arg0, %add3A_28, %dma_wait3A] : memref<2x10240x128xf32, #tpu.memory_space<hbm>> -> memref<1x128x128xf32, #tpu.memory_space<hbm>>
        %dma_wait3A_34 = tpu.memref_squeeze %dma_wait3A_33 : memref<1x128x128xf32, #tpu.memory_space<hbm>> -> memref<128x128xf32, #tpu.memory_space<hbm>>
        %dma_wait3A_35 = arith.constant 0 : i32
        %dma_wait3A_36 = tpu.memref_slice %arg10[%add3A_28, %dma_wait3A_35] : memref<10240x128xf32, #tpu.memory_space<vmem_shared>> -> memref<128x128xf32, #tpu.memory_space<vmem_shared>>
        tpu.wait_dma2 semaphore(%run_scoped3A : memref<!tpu.dma_semaphore, #tpu.memory_space<semaphore_mem>>) src(%dma_wait3A_36 : memref<128x128xf32, #tpu.memory_space<vmem_shared>>) dst(%dma_wait3A_34 : memref<128x128xf32, #tpu.memory_space<hbm>>)
        tpu.yield
      }) : () -> ()
    }
    %scan3A_22 = arith.constant 5 : i32
    return
  }
}

module attributes {stable_mosaic.version = 14 : i64} {
  func.func @_mm_body(%arg0: i32, %arg1: memref<1000x128xf32, #tpu.memory_space<vmem>>, %arg2: memref<128x128xf32, #tpu.memory_space<vmem>>, %arg3: memref<2x1000x1xf32, #tpu.memory_space<vmem>>, %arg4: memref<1000x128xf32, #tpu.memory_space<vmem>>, %arg5: memref<1000x1xf32, #tpu.memory_space<vmem>>) attributes {dimension_semantics = [#tpu.dimension_semantics<arbitrary>], iteration_bounds = array<i64: 10>, scalar_prefetch = 0 : i64, scratch_operands = 0 : i64, tpu.core_type = #tpu.core_type<tc>, window_params = [{transform_indices = @transform_0, window_bounds = array<i64: 1000, 128>}, {pipeline_mode = #tpu.pipeline_mode<synchronous>, transform_indices = @transform_1, window_bounds = array<i64: 128, 128>}, {transform_indices = @transform_2, window_bounds = array<i64: 2, 1000, 1>}, {transform_indices = @transform_3, window_bounds = array<i64: 1000, 128>}, {transform_indices = @transform_4, window_bounds = array<i64: 1000, 1>}]} {
    %get3A = arith.constant 0 : index
    %get3A_0 = arith.constant 0 : index
    %get3A_1 = arith.constant 0 : index
    %get3A_2 = vector.load %arg3[%get3A, %get3A_0, %get3A_1] : memref<2x1000x1xf32, #tpu.memory_space<vmem>>, vector<1x1000x1xf32>
    %get3A_3 = vector.shape_cast %get3A_2 : vector<1x1000x1xf32> to vector<1000x1xf32>
    %get3A_4 = arith.constant 1 : index
    %get3A_5 = arith.constant 0 : index
    %get3A_6 = arith.constant 0 : index
    %get3A_7 = vector.load %arg3[%get3A_4, %get3A_5, %get3A_6] : memref<2x1000x1xf32, #tpu.memory_space<vmem>>, vector<1x1000x1xf32>
    %get3A_8 = vector.shape_cast %get3A_7 : vector<1x1000x1xf32> to vector<1000x1xf32>
    %add3A = arith.addf %get3A_3, %get3A_8 : vector<1000x1xf32>
    %add3A_9 = arith.constant 1.000000e+00 : f32
    %add3A_10 = vector.broadcast %add3A_9 : f32 to vector<1000x1xf32>
    %add3A_11 = arith.addf %add3A, %add3A_10 : vector<1000x1xf32>
    %rsqrt3A = math.rsqrt %add3A_11 : vector<1000x1xf32>
    %get3A_12 = arith.constant 0 : index
    %get3A_13 = arith.constant 0 : index
    %get3A_14 = vector.load %arg1[%get3A_12, %get3A_13] : memref<1000x128xf32, #tpu.memory_space<vmem>>, vector<1000x128xf32>
    %get3A_15 = arith.constant 0 : index
    %get3A_16 = arith.constant 0 : index
    %get3A_17 = vector.load %arg2[%get3A_15, %get3A_16] : memref<128x128xf32, #tpu.memory_space<vmem>>, vector<128x128xf32>
    %dot_general3A = arith.constant dense<0.000000e+00> : vector<1000x128xf32>
    %dot_general3A_18 = tpu.matmul %get3A_14, %get3A_17, %dot_general3A {dimension_numbers = #tpu.dot_dimension_numbers<[1], [0], [0], [1], [0, 0, 1, 1], [], []>, transpose_lhs_hint = false} : vector<1000x128xf32>, vector<128x128xf32>, vector<1000x128xf32> -> vector<1000x128xf32>
    %mul3A = vector.broadcast %rsqrt3A : vector<1000x1xf32> to vector<1000x128xf32>
    %mul3A_19 = arith.mulf %dot_general3A_18, %mul3A : vector<1000x128xf32>
    %swap3A = arith.constant 0 : index
    %swap3A_20 = arith.constant 0 : index
    %swap3A_21 = vector.load %arg4[%swap3A, %swap3A_20] : memref<1000x128xf32, #tpu.memory_space<vmem>>, vector<1000x128xf32>
    tpu.vector_store %arg4[%swap3A, %swap3A_20], %mul3A_19 {strides = array<i32>} : memref<1000x128xf32, #tpu.memory_space<vmem>>, vector<1000x128xf32>,
    %swap3A_22 = arith.constant 0 : index
    %swap3A_23 = arith.constant 0 : index
    %swap3A_24 = vector.load %arg5[%swap3A_22, %swap3A_23] : memref<1000x1xf32, #tpu.memory_space<vmem>>, vector<1000x1xf32>
    tpu.vector_store %arg5[%swap3A_22, %swap3A_23], %rsqrt3A {strides = array<i32>} : memref<1000x1xf32, #tpu.memory_space<vmem>>, vector<1000x1xf32>,
    return
  }
  func.func @transform_0(%arg0: i32) -> (i32, i32) {
    %c0_i32 = arith.constant 0 : i32
    %c0_i32_0 = arith.constant 0 : i32
    return %arg0, %c0_i32 : i32, i32
  }
  func.func @transform_1(%arg0: i32) -> (i32, i32) {
    %c0_i32 = arith.constant 0 : i32
    %c0_i32_0 = arith.constant 0 : i32
    %c0_i32_1 = arith.constant 0 : i32
    return %c0_i32, %c0_i32_0 : i32, i32
  }
  func.func @transform_2(%arg0: i32) -> (i32, i32, i32) {
    %c0_i32 = arith.constant 0 : i32
    %c0_i32_0 = arith.constant 0 : i32
    %c0_i32_1 = arith.constant 0 : i32
    return %c0_i32, %arg0, %c0_i32_0 : i32, i32, i32
  }
  func.func @transform_3(%arg0: i32) -> (i32, i32) {
    %c0_i32 = arith.constant 0 : i32
    %c0_i32_0 = arith.constant 0 : i32
    return %arg0, %c0_i32 : i32, i32
  }
  func.func @transform_4(%arg0: i32) -> (i32, i32) {
    %c0_i32 = arith.constant 0 : i32
    %c0_i32_0 = arith.constant 0 : i32
    return %arg0, %c0_i32 : i32, i32
  }
}

module attributes {stable_mosaic.version = 14 : i64} {
  func.func @_mid_body(%arg0: i32, %arg1: memref<2x1000x128xf32, #tpu.memory_space<vmem>>, %arg2: memref<1000x128xf32, #tpu.memory_space<vmem>>, %arg3: memref<1000x1xf32, #tpu.memory_space<vmem>>, %arg4: memref<1x128xf32, #tpu.memory_space<vmem>>, %arg5: memref<128x128xf32, #tpu.memory_space<vmem>>, %arg6: memref<1000x128xf32, #tpu.memory_space<vmem>>) attributes {dimension_semantics = [#tpu.dimension_semantics<arbitrary>], iteration_bounds = array<i64: 10>, scalar_prefetch = 0 : i64, scratch_operands = 0 : i64, tpu.core_type = #tpu.core_type<tc>, window_params = [{transform_indices = @transform_0, window_bounds = array<i64: 2, 1000, 128>}, {transform_indices = @transform_1, window_bounds = array<i64: 1000, 128>}, {transform_indices = @transform_2, window_bounds = array<i64: 1000, 1>}, {pipeline_mode = #tpu.pipeline_mode<synchronous>, transform_indices = @transform_3, window_bounds = array<i64: 1, 128>}, {pipeline_mode = #tpu.pipeline_mode<synchronous>, transform_indices = @transform_4, window_bounds = array<i64: 128, 128>}, {transform_indices = @transform_5, window_bounds = array<i64: 1000, 128>}]} {
    %get3A = arith.constant 0 : index
    %get3A_0 = arith.constant 0 : index
    %get3A_1 = arith.constant 0 : index
    %get3A_2 = vector.load %arg1[%get3A, %get3A_0, %get3A_1] : memref<2x1000x128xf32, #tpu.memory_space<vmem>>, vector<1x1000x128xf32>
    %get3A_3 = vector.shape_cast %get3A_2 : vector<1x1000x128xf32> to vector<1000x128xf32>
    %get3A_4 = arith.constant 1 : index
    %get3A_5 = arith.constant 0 : index
    %get3A_6 = arith.constant 0 : index
    %get3A_7 = vector.load %arg1[%get3A_4, %get3A_5, %get3A_6] : memref<2x1000x128xf32, #tpu.memory_space<vmem>>, vector<1x1000x128xf32>
    %get3A_8 = vector.shape_cast %get3A_7 : vector<1x1000x128xf32> to vector<1000x128xf32>
    %add3A = arith.addf %get3A_3, %get3A_8 : vector<1000x128xf32>
    %get3A_9 = arith.constant 0 : index
    %get3A_10 = arith.constant 0 : index
    %get3A_11 = vector.load %arg2[%get3A_9, %get3A_10] : memref<1000x128xf32, #tpu.memory_space<vmem>>, vector<1000x128xf32>
    %add3A_12 = arith.addf %add3A, %get3A_11 : vector<1000x128xf32>
    %get3A_13 = arith.constant 0 : index
    %get3A_14 = arith.constant 0 : index
    %get3A_15 = vector.load %arg3[%get3A_13, %get3A_14] : memref<1000x1xf32, #tpu.memory_space<vmem>>, vector<1000x1xf32>
    %mul3A = vector.broadcast %get3A_15 : vector<1000x1xf32> to vector<1000x128xf32>
    %mul3A_16 = arith.mulf %add3A_12, %mul3A : vector<1000x128xf32>
    %get3A_17 = arith.constant 0 : index
    %get3A_18 = arith.constant 0 : index
    %get3A_19 = vector.load %arg4[%get3A_17, %get3A_18] : memref<1x128xf32, #tpu.memory_space<vmem>>, vector<1x128xf32>
    %add3A_20 = vector.broadcast %get3A_19 : vector<1x128xf32> to vector<1000x128xf32>
    %add3A_21 = arith.addf %mul3A_16, %add3A_20 : vector<1000x128xf32>
    %max3A = arith.constant 0.000000e+00 : f32
    %max3A_22 = vector.broadcast %max3A : f32 to vector<1000x128xf32>
    %max3A_23 = arith.maximumf %add3A_21, %max3A_22 : vector<1000x128xf32>
    %get3A_24 = arith.constant 0 : index
    %get3A_25 = arith.constant 0 : index
    %get3A_26 = vector.load %arg5[%get3A_24, %get3A_25] : memref<128x128xf32, #tpu.memory_space<vmem>>, vector<128x128xf32>
    %dot_general3A = arith.constant dense<0.000000e+00> : vector<1000x128xf32>
    %dot_general3A_27 = tpu.matmul %max3A_23, %get3A_26, %dot_general3A {dimension_numbers = #tpu.dot_dimension_numbers<[1], [0], [0], [1], [0, 0, 1, 1], [], []>, transpose_lhs_hint = false} : vector<1000x128xf32>, vector<128x128xf32>, vector<1000x128xf32> -> vector<1000x128xf32>
    %get3A_28 = arith.constant 0 : index
    %get3A_29 = arith.constant 0 : index
    %get3A_30 = vector.load %arg3[%get3A_28, %get3A_29] : memref<1000x1xf32, #tpu.memory_space<vmem>>, vector<1000x1xf32>
    %mul3A_31 = vector.broadcast %get3A_30 : vector<1000x1xf32> to vector<1000x128xf32>
    %mul3A_32 = arith.mulf %dot_general3A_27, %mul3A_31 : vector<1000x128xf32>
    %swap3A = arith.constant 0 : index
    %swap3A_33 = arith.constant 0 : index
    %swap3A_34 = vector.load %arg6[%swap3A, %swap3A_33] : memref<1000x128xf32, #tpu.memory_space<vmem>>, vector<1000x128xf32>
    tpu.vector_store %arg6[%swap3A, %swap3A_33], %mul3A_32 {strides = array<i32>} : memref<1000x128xf32, #tpu.memory_space<vmem>>, vector<1000x128xf32>,
    return
  }
  func.func @transform_0(%arg0: i32) -> (i32, i32, i32) {
    %c0_i32 = arith.constant 0 : i32
    %c0_i32_0 = arith.constant 0 : i32
    %c0_i32_1 = arith.constant 0 : i32
    return %c0_i32, %arg0, %c0_i32_0 : i32, i32, i32
  }
  func.func @transform_1(%arg0: i32) -> (i32, i32) {
    %c0_i32 = arith.constant 0 : i32
    %c0_i32_0 = arith.constant 0 : i32
    return %arg0, %c0_i32 : i32, i32
  }
  func.func @transform_2(%arg0: i32) -> (i32, i32) {
    %c0_i32 = arith.constant 0 : i32
    %c0_i32_0 = arith.constant 0 : i32
    return %arg0, %c0_i32 : i32, i32
  }
  func.func @transform_3(%arg0: i32) -> (i32, i32) {
    %c0_i32 = arith.constant 0 : i32
    %c0_i32_0 = arith.constant 0 : i32
    %c0_i32_1 = arith.constant 0 : i32
    return %c0_i32, %c0_i32_0 : i32, i32
  }
  func.func @transform_4(%arg0: i32) -> (i32, i32) {
    %c0_i32 = arith.constant 0 : i32
    %c0_i32_0 = arith.constant 0 : i32
    %c0_i32_1 = arith.constant 0 : i32
    return %c0_i32, %c0_i32_0 : i32, i32
  }
  func.func @transform_5(%arg0: i32) -> (i32, i32) {
    %c0_i32 = arith.constant 0 : i32
    %c0_i32_0 = arith.constant 0 : i32
    return %arg0, %c0_i32 : i32, i32
  }
}

module attributes {stable_mosaic.version = 14 : i64} {
  func.func @_out_body(%arg0: i32, %arg1: memref<2x1000x128xf32, #tpu.memory_space<vmem>>, %arg2: memref<1000x128xf32, #tpu.memory_space<vmem>>, %arg3: memref<1000x1xf32, #tpu.memory_space<vmem>>, %arg4: memref<1x128xf32, #tpu.memory_space<vmem>>, %arg5: memref<1000x128xf32, #tpu.memory_space<vmem>>) attributes {dimension_semantics = [#tpu.dimension_semantics<arbitrary>], iteration_bounds = array<i64: 10>, scalar_prefetch = 0 : i64, scratch_operands = 0 : i64, tpu.core_type = #tpu.core_type<tc>, window_params = [{transform_indices = @transform_0, window_bounds = array<i64: 2, 1000, 128>}, {transform_indices = @transform_1, window_bounds = array<i64: 1000, 128>}, {transform_indices = @transform_2, window_bounds = array<i64: 1000, 1>}, {pipeline_mode = #tpu.pipeline_mode<synchronous>, transform_indices = @transform_3, window_bounds = array<i64: 1, 128>}, {transform_indices = @transform_4, window_bounds = array<i64: 1000, 128>}]} {
    %get3A = arith.constant 0 : index
    %get3A_0 = arith.constant 0 : index
    %get3A_1 = arith.constant 0 : index
    %get3A_2 = vector.load %arg1[%get3A, %get3A_0, %get3A_1] : memref<2x1000x128xf32, #tpu.memory_space<vmem>>, vector<1x1000x128xf32>
    %get3A_3 = vector.shape_cast %get3A_2 : vector<1x1000x128xf32> to vector<1000x128xf32>
    %get3A_4 = arith.constant 1 : index
    %get3A_5 = arith.constant 0 : index
    %get3A_6 = arith.constant 0 : index
    %get3A_7 = vector.load %arg1[%get3A_4, %get3A_5, %get3A_6] : memref<2x1000x128xf32, #tpu.memory_space<vmem>>, vector<1x1000x128xf32>
    %get3A_8 = vector.shape_cast %get3A_7 : vector<1x1000x128xf32> to vector<1000x128xf32>
    %add3A = arith.addf %get3A_3, %get3A_8 : vector<1000x128xf32>
    %get3A_9 = arith.constant 0 : index
    %get3A_10 = arith.constant 0 : index
    %get3A_11 = vector.load %arg2[%get3A_9, %get3A_10] : memref<1000x128xf32, #tpu.memory_space<vmem>>, vector<1000x128xf32>
    %add3A_12 = arith.addf %add3A, %get3A_11 : vector<1000x128xf32>
    %get3A_13 = arith.constant 0 : index
    %get3A_14 = arith.constant 0 : index
    %get3A_15 = vector.load %arg3[%get3A_13, %get3A_14] : memref<1000x1xf32, #tpu.memory_space<vmem>>, vector<1000x1xf32>
    %mul3A = vector.broadcast %get3A_15 : vector<1000x1xf32> to vector<1000x128xf32>
    %mul3A_16 = arith.mulf %add3A_12, %mul3A : vector<1000x128xf32>
    %get3A_17 = arith.constant 0 : index
    %get3A_18 = arith.constant 0 : index
    %get3A_19 = vector.load %arg4[%get3A_17, %get3A_18] : memref<1x128xf32, #tpu.memory_space<vmem>>, vector<1x128xf32>
    %add3A_20 = vector.broadcast %get3A_19 : vector<1x128xf32> to vector<1000x128xf32>
    %add3A_21 = arith.addf %mul3A_16, %add3A_20 : vector<1000x128xf32>
    %swap3A = arith.constant 0 : index
    %swap3A_22 = arith.constant 0 : index
    %swap3A_23 = vector.load %arg5[%swap3A, %swap3A_22] : memref<1000x128xf32, #tpu.memory_space<vmem>>, vector<1000x128xf32>
    tpu.vector_store %arg5[%swap3A, %swap3A_22], %add3A_21 {strides = array<i32>} : memref<1000x128xf32, #tpu.memory_space<vmem>>, vector<1000x128xf32>,
    return
  }
  func.func @transform_0(%arg0: i32) -> (i32, i32, i32) {
    %c0_i32 = arith.constant 0 : i32
    %c0_i32_0 = arith.constant 0 : i32
    %c0_i32_1 = arith.constant 0 : i32
    return %c0_i32, %arg0, %c0_i32_0 : i32, i32, i32
  }
  func.func @transform_1(%arg0: i32) -> (i32, i32) {
    %c0_i32 = arith.constant 0 : i32
    %c0_i32_0 = arith.constant 0 : i32
    return %arg0, %c0_i32 : i32, i32
  }
  func.func @transform_2(%arg0: i32) -> (i32, i32) {
    %c0_i32 = arith.constant 0 : i32
    %c0_i32_0 = arith.constant 0 : i32
    return %arg0, %c0_i32 : i32, i32
  }
  func.func @transform_3(%arg0: i32) -> (i32, i32) {
    %c0_i32 = arith.constant 0 : i32
    %c0_i32_0 = arith.constant 0 : i32
    %c0_i32_1 = arith.constant 0 : i32
    return %c0_i32, %c0_i32_0 : i32, i32
  }
  func.func @transform_4(%arg0: i32) -> (i32, i32) {
    %c0_i32 = arith.constant 0 : i32
    %c0_i32_0 = arith.constant 0 : i32
    return %arg0, %c0_i32 : i32, i32
  }
}

</mosaic_0001>

<sc_bundles>
// kernel: kernel.11.cloned.1.call-start
scs
__scs_entry_jumppad:
0x0: {  	(pc) =	sbr.rel $0x88, $3  }
0x1: {  	(tag) =	ssettag $0x0;
	lr =	simm.s32 $0x1  }
0x2: {  	[smem:$0x3F9B] =	sst lr;
	_ =	strace $0xD0000000  }
0x3: {  	_ = 	snop  }
0x4: {  	_ = 	snop  }
0x5: {  	_ = 	snop  }
0x6: {  	_ = 	snop  }
0x7: {  	_ = 	snop  }
__scs_overlays_trampoline_lowered:
0x8: {  	[smem:$0x3FAA] =	sst s0  }
0x9: {  	[smem:$0x3FAB] =	sst s1  }
0xa: {  	[smem:$0x3FAC] =	sst s2  }
0xb: {  	[smem:$0x3FAD] =	sst s3  }
0xc: {  	[smem:$0x3FAE] =	sst s4  }
0xd: {  	[smem:$0x3FAF] =	sst s5  }
0xe: {  	[smem:$0x3FB0] =	sst s6  }
0xf: {  	[smem:$0x3FB1] =	sst s7  }
0x10: {  	[smem:$0x3FB2] =	sst s8  }
0x11: {  	[smem:$0x3FB3] =	sst s9;
	s0 =	simm.s32 @!p0 $0x0  }
0x12: {  	s1 =	sld [smem:$0x3F99];
	s0 =	simm.s32 @p0 $0x1  }
0x13: {  	[smem:$0x3FB4] =	sst s0;
	s0 =	simm.s32 @!p1 $0x0  }
0x14: {  	s2 =	sld [smem:$0x3F98];
	s0 =	simm.s32 @p1 $0x1  }
0x15: {  	[smem:$0x3FB5] =	sst s0;
	s0 =	simm.s32 @!p2 $0x0  }
0x16: {  	s3 =	sld [smem:$0x3FDB];
	s0 =	simm.s32 @p2 $0x1  }
0x17: {  	s4 =	simm.s32 $0x1BF5;
	[smem:$0x3FB7] =	sst s0  }
0x18: {  	s0 =	sld [smem:$0x3F9A];
	_ =	swait.ge [sflag:s4], $0x0  }
0x19: {  	s7 =	sld [smem:$0x3F9B]  }
0x1a: {  	s8 =	sadd.s32 $0xFFFFE003, lr  }
0x1b: {  	s9 =	sadd.s32 $0xFFFFFEF7, lr;
	s5 =	simm.s32 $0xFFFFFFFF;
	p2 =	slt.u32 s8, $0xFFFFF086  }
0x1c: {  	p1 =	slt.u32 s9, $0xF7A;
	s5 =	simm.s32 @!p2 $0x0  }
0x1d: {  	s5 =	simm.s32 @p1 $0x1;
	p0 =	seq.s32 s7, s2  }
0x1e: {  	s7 =	smul.u32 @!p0 $0xF7A, s2;
	p2 =	seq.s32 @!p0 s5, $0x0  }
0x1f: {  	s9 =	smul.u32 $0xF7A, s1;
	s8 =	simm.s32 @!p0 $0x1BF5;
	p2 =	por !p2, p0  }
0x20: {  	[sflag:s8] =	ssyncset.s32 @!p0 $0xFFFFF086;
	s6 =	sadd.s32 @!p0 s3, s7;
	s7 =	simm.s32 @!p0 $0x108  }
0x21: {  	s3 =	sadd.s32 s3, s9;
	s6 =	sadd.s32 @!p0 $0x88, s6;
	s7 =	simm.s32 @p2 $0x1082  }
0x22: {  	[simem:s7], [sflag:s8] =	dma.local @!p0 [hbm:s6], $0xF7A  }
0x23: {  	s9 =	sor.u32 $0xD0000000, s2;
	s6 =	simm.s32 $0x108;
	_ =	swait.ge @!p0 [sflag:s8], $0x0  }
0x24: {  	s3 =	sadd.s32 $0x88, s3;
	s6 =	simm.s32 @!p1 $0x1082;
	[sflag:s4] =	ssyncset.s32 $0xFFFFF086  }
0x25: {  	[simem:s6], [sflag:s4] =	dma.local [hbm:s3], $0xF7A  }
0x26: {  	[smem:$0x3F9B] =	sst s1;
	(tag) =	ssettag s2;
	_ =	strace s9  }
0x27: {  	s1 =	sld [smem:$0x3FAB]  }
0x28: {  	s2 =	sld [smem:$0x3FAC]  }
0x29: {  	s4 =	sld [smem:$0x3FAE]  }
0x2a: {  	p0 =	seq.s32 s5, $0x0;
	s5 =	sld [smem:$0x3FAF]  }
0x2b: {  	s6 =	sld [smem:$0x3FB0]  }
0x2c: {  	s7 =	sld [smem:$0x3FB1]  }
0x2d: {  	s3 =	simm.s32 $0x108;
	s8 =	sld [smem:$0x3FB2]  }
0x2e: {  	s3 =	simm.s32 @!p0 $0x1082;
	s9 =	sld [smem:$0x3FB3]  }
0x2f: {  	lr =	sadd.s32 s0, s3;
	s0 =	sld [smem:$0x3FAA]  }
0x30: {  	s3 =	sld [smem:$0x3FAD]  }
0x31: {  	[smem:$0x3FB6] =	sst s10  }
0x32: {  	s10 =	sld [smem:$0x3FB4];
	_ =	sdelay $0x3  }
0x33: {  	p0 =	seq.s32 s10, $0x1;
	s10 =	sld [smem:$0x3FB6];
	_ =	sdelay $0x3  }
0x34: {  	[smem:$0x3FB6] =	sst s10  }
0x35: {  	s10 =	sld [smem:$0x3FB5];
	_ =	sdelay $0x3  }
0x36: {  	p1 =	seq.s32 s10, $0x1;
	s10 =	sld [smem:$0x3FB6];
	_ =	sdelay $0x3  }
0x37: {  	[smem:$0x3FB6] =	sst s10  }
0x38: {  	s10 =	sld [smem:$0x3FB7]  }
0x39: {  	_ = 	snop;
	(pc) =	sbr.ind lr, $3  }
0x3a: {  	_ = 	snop  }
0x3b: {  	_ = 	snop  }
0x3c: {  	p2 =	seq.s32 s10, $0x1;
	s10 =	sld [smem:$0x3FB6]  }
0x3d: {  	_ =	shalt  }
0x3e: {  	_ =	shalt  }
0x3f: {  	_ =	shalt  }
0x40: {  	_ =	shalt  }
0x41: {  	_ =	shalt  }
0x42: {  	_ =	shalt  }
0x43: {  	_ =	shalt  }
0x44: {  	_ =	shalt  }
0x45: {  	_ =	shalt  }
0x46: {  	_ =	shalt  }
0x47: {  	_ =	shalt  }
0x48: {  	_ =	shalt  }
0x49: {  	_ =	shalt  }
0x4a: {  	_ =	shalt  }
0x4b: {  	_ =	shalt  }
0x4c: {  	_ =	shalt  }
0x4d: {  	_ =	shalt  }
0x4e: {  	_ =	shalt  }
0x4f: {  	_ =	shalt  }
0x50: {  	_ =	shalt  }
0x51: {  	_ =	shalt  }
0x52: {  	_ =	shalt  }
0x53: {  	_ =	shalt  }
0x54: {  	_ =	shalt  }
0x55: {  	_ =	shalt  }
0x56: {  	_ =	shalt  }
0x57: {  	_ =	shalt  }
0x58: {  	_ =	shalt  }
0x59: {  	_ =	shalt  }
0x5a: {  	_ =	shalt  }
0x5b: {  	_ =	shalt  }
0x5c: {  	_ =	shalt  }
0x5d: {  	_ =	shalt  }
0x5e: {  	_ =	shalt  }
0x5f: {  	_ =	shalt  }
0x60: {  	_ =	shalt  }
0x61: {  	_ =	shalt  }
0x62: {  	_ =	shalt  }
0x63: {  	_ =	shalt  }
0x64: {  	_ =	shalt  }
0x65: {  	_ =	shalt  }
0x66: {  	_ =	shalt  }
0x67: {  	_ =	shalt  }
0x68: {  	_ =	shalt  }
0x69: {  	_ =	shalt  }
0x6a: {  	_ =	shalt  }
0x6b: {  	_ =	shalt  }
0x6c: {  	_ =	shalt  }
0x6d: {  	_ =	shalt  }
0x6e: {  	_ =	shalt  }
0x6f: {  	_ =	shalt  }
0x70: {  	_ =	shalt  }
0x71: {  	_ =	shalt  }
0x72: {  	_ =	shalt  }
0x73: {  	_ =	shalt  }
0x74: {  	_ =	shalt  }
0x75: {  	_ =	shalt  }
0x76: {  	_ =	shalt  }
0x77: {  	_ =	shalt  }
0x78: {  	_ =	shalt  }
0x79: {  	_ =	shalt  }
0x7a: {  	_ =	shalt  }
0x7b: {  	_ =	shalt  }
0x7c: {  	_ =	shalt  }
0x7d: {  	_ =	shalt  }
0x7e: {  	_ =	shalt  }
0x7f: {  	_ =	shalt  }
0x80: {  	_ =	shalt  }
0x81: {  	_ =	shalt  }
0x82: {  	_ =	shalt  }
0x83: {  	_ =	shalt  }
0x84: {  	_ =	shalt  }
0x85: {  	_ =	shalt  }
0x86: {  	_ =	shalt  }
0x87: {  	_ =	shalt  }
.Lfunc_end0:
.L_simem_size_0:
called_computation.1_lowered:
.L_overlay_start_0:
0x88: {  	s2 =	sld [smem:$0x3FD9]  }
0x89: {  	s3 =	sld [smem:$0x3FFE];
	_ =	sdelay $0x1  }
0x8a: {  	s1 =	srdreg.scid  }
0x8b: {  	s0 =	sand.u32 $0x1, s1  }
0x8c: {  	s17 =	sshll.u32 s0, $0xA;
	s2 =	sadd.s32 s3, s2  }
0x8d: {  	s2 =	sadd.s32 s2, s17  }
0x8e: {  	[smem:$0x3FC2] =	sst s2  }
0x8f: {  	_ = 	snop  }
0x90: {  	s2 =	sld [smem:$0x3FD0];
	(tm) =	ssettm $0x1  }
0x91: {  	s18 =	sld [smem:$0x3FFB];
	_ =	sdelay $0x3  }
0x92: {  	_ =	strace s18  }
0x93: {  	s3 =	sld [smem:$0x3FFC];
	_ =	sdelay $0x3  }
0x94: {  	_ =	strace s3  }
0x95: {  	s3 =	sld [smem:$0x3FFD];
	_ =	sdelay $0x3  }
0x96: {  	_ =	strace s3  }
0x97: {  	_ =	strace $0x8FFFFFFF  }
0x98: {  	s19 =	sld [smem:$0x3FDB];
	_ =	sdelay $0x1  }
0x99: {  	s4 =	simm.s32 $_scs_section_size  }
0x9a: {  	s5 =	simm.s32 $_size__tile_overlayer_lowered;
	s6 =	simm.s32 $_tile_overlayer_lowered  }
0x9b: {  	s22 =	simm.s32 $0x1BFF;
	s21 =	sshll.u32 s6, $0x1;
	s3 =	sadd.s32 s4, s19  }
0x9c: {  	s7 =	simm.s32 $0x0;
	s20 =	sshll.u32 s5, $0x1;
	s5 =	sadd.s32 s21, s3  }
0x9d: {  	[timem:s7], [sflag:s22] =	dma.local [hbm:s5], s20  }
0x9e: {  	_ =	swait.ge [sflag:s22], s20  }
0x9f: {  	s4 =	ssub.s32 $0x0, s20;
	[sflag:s22] =	ssyncset.done $0x0  }
0xa0: {  	[sflag:s22] =	ssyncadd.s32 s4;
	_ =	sdelay $0x1  }
0xa1: {  	s23 =	simm.s32 $0x1B8B  }
0xa2: {  	_ =	swait.ge [sflag:s23], $0x1  }
0xa3: {  	[sflag:s23] =	ssyncset.done $0x0  }
0xa4: {  	s25 =	simm.s32 $0x1B8E;
	s24 =	sld [smem:$0x3FFE];
	[sflag:s23] =	ssyncadd.s32 $0xFFFFFFFF  }
0xa5: {  	s26 =	simm.s32 $execute0_lowered;
	[smem:$0x3FD2] =	sst s25  }
0xa6: {  	s5 =	sshll.u32 s26, $0x1;
	_ =	strace $0x80000049;
	[dreg:$0x1] =	wrdreg $0xFFFFFFFF  }
0xa7: {  	s28 =	simm.s32 $_size_execute0_lowered;
	s3 =	sadd.s32 s3, s5;
	[dreg:$0x0] =	wrdreg $0x0  }
0xa8: {  	s5 =	sshll.u32 s28, $0x1;
	[dreg:$0x2] =	wrdreg s3  }
0xa9: {  	[dreg:$0x3] =	wrdreg s5  }
0xaa: {  	[dreg:$0x4] =	wrdreg $0xC0  }
0xab: {  	_ =	task [dreg:s7], $0x5FFFF  }
0xac: {  	[dreg:$0x1] =	wrdreg $0xFFFFFFFF  }
0xad: {  	[dreg:$0x0] =	wrdreg $0x60  }
0xae: {  	[dreg:$0x2] =	wrdreg s2  }
0xaf: {  	[dreg:$0x3] =	wrdreg s24  }
0xb0: {  	[dreg:$0x4] =	wrdreg $0xA8000  }
0xb1: {  	[dreg:$0x5] =	wrdreg $0x9  }
0xb2: {  	_ =	task.clear_ibuf [dreg:s7], $0x6FFFF;
	_ =	strace $0x90000049  }
0xb3: {  	s29 =	simm.s32 $0x9;
	_ =	strace $0x8000004B  }
0xb4: {  	_ =	swait.ge [sflag:s29], $0x1  }
0xb5: {  	[sflag:s29] =	ssyncadd.s32 $0xFFFFFFFF  }
0xb6: {  	_ =	strace $0x9000004B  }
0xb7: {  	_ =	sfence  }
0xb8: {  	s30 =	sld [smem:$0x0];
	_ =	sdelay $0x2  }
0xb9: {  	s31 =	sshll.u32 s1, $0xD;
	s1 =	sshrl.u32 s1, $0x2  }
0xba: {  	s3 =	sand.u32 $0x4000, s31;
	s1 =	sadd.s32 s1, s30  }
0xbb: {  	s0 =	sor.u32 s3, s0;
	s1 =	sshll.u32 s1, $0x11  }
0xbc: {  	s0 =	sor.u32 s1, s0  }
0xbd: {  	s0 =	sadd.s32 $0x8F2B, s0  }
0xbe: {  	[sflag:s0] =	ssyncadd.remote.s32 $0x1  }
0xbf: {  	_ =	sfence.sel $0xFFFF  }
0xc0: {  	[dreg:$0x0] =	wrdreg $0xFFFFFFFF;
	(pc) =	sbr.abs _section_cstart, $3  }
0xc1: {  	[dreg:$0x1] =	wrdreg $0xFFFFFFFF  }
0xc2: {  	_ =	task.clear_ibuf [dreg:s7], $0x2FFFF;
	_ =	strace $0x9FFFFFFF  }
0xc3: {  	(tm) =	ssettm $0x7FFFFFFF  }
tec
execute0_lowered:
.L_overlay_start_1:
0x0: {  	(tag) =	ssettag $0x1  }
0x1: {  	s0 =	rddreg [dreg:$0x0]  }
0x2: {  	s3 =	rddreg [dreg:$0x1]  }
0x3: {  	s1 =	rddreg [dreg:$0x2];
	s2 =	simm.s32 $0x0  }
0x4: {  	s4 =	srdreg.scid;
	s11 =	stileid.u32;
	s28 =	simm.s32 $0x80  }
0x5: {  	s29 =	simm.s32 $0x6800;
	s30 =	simm.s32 $0x1;
	s31 =	simm.s32 $0x2  }
0x6: {  	[smem:$0x7FF] =	sst s2;
	s6 =	sand.u32 $0x1, s4;
	s14 =	smul.u32 $0x14000, s11  }
0x7: {  	s8 =	sadd.s32 $0xC800, s3;
	s4 =	sadd.s32 $0x16800, s3;
	s10 =	smul.u32 $0x50000, s11  }
0x8: {  	s3 =	sadd.s32 $0x3E800, s3;
	s11 =	sshll.u32 s11, $0x1;
	_ =	strace $0x8000004A  }
0x9: {  	s7 =	smul.u32 $0x140000, s6;
	s5 =	ssub.s32 $0x2, s6;
	s6 =	sor.u32 s6, s11  }
0xa: {  	s9 =	sshrl.u32 s5, $0x1;
	s10 =	sshrl.u32 s10, $0x2;
	s20 =	sadd.s32 $0xC000, s14  }
0xb: {  	s6 =	smul.u32 $0x500, s6;
	s9 =	ssub.s32 s5, s9;
	s26 =	sadd.s32 s7, s14  }
0xc: {  	s5 =	sadd.s32 s10, s1;
	s21 =	sadd.s32 s7, s20;
	s12 =	sshrl.u32 s26, $0x3  }
0xd: {  	s9 =	smax.u32 s9, $0x1;
	s13 =	sadd.s32 $0x4000, s5;
	s15 =	sadd.s32 $0x8000, s5  }
0xe: {  	s17 =	sadd.s32 $0xC000, s5;
	s19 =	sadd.s32 $0x10000, s5;
	[dreg:$0x5] =	wrdreg s9  }
0xf: {  	s24 =	sshrl.u32 s21, $0x3;
	s26 =	sadd.s32 $0x280, s6;
	[dreg:$0x6] =	wrdreg s13  }
0x10: {  	s21 =	simm.s32 $0x3;
	s12 =	sadd.s32 s3, s12;
	[dreg:$0x7] =	wrdreg s15  }
0x11: {  	s13 =	sadd.s32 $0x4000, s14;
	s15 =	sadd.s32 $0x8000, s14;
	[dreg:$0x8] =	wrdreg s17  }
0x12: {  	[dreg:$0x9] =	wrdreg s19;
	s17 =	sadd.s32 $0x10000, s14;
	s14 =	sadd.s32 s3, s24  }
0x13: {  	s24 =	sadd.s32 s20, s1;
	s19 =	sadd.s32 s8, s26;
	s20 =	simm.s32 $0x2800  }
0x14: {  	[dreg:$0x4] =	wrdreg s12;
	s16 =	sadd.s32 s7, s13;
	s22 =	sadd.s32 s13, s1  }
0x15: {  	s23 =	sadd.s32 s15, s1;
	s25 =	sadd.s32 s17, s1;
	s24 =	sshrl.u32 s24, $0x3  }
0x16: {  	s18 =	sshrl.u32 s16, $0x3;
	s16 =	sadd.s32 s7, s15;
	s7 =	sadd.s32 s7, s17  }
0x17: {  	s17 =	sadd.s32 s8, s6;
	s22 =	sshrl.u32 s22, $0x3;
	s23 =	sshrl.u32 s23, $0x3  }
0x18: {  	s25 =	sshrl.u32 s25, $0x3;
	s12 =	sadd.s32 s3, s18;
	s16 =	sshrl.u32 s16, $0x3  }
0x19: {  	s7 =	sshrl.u32 s7, $0x3;
	s18 =	sadd.s32 s0, s26;
	s26 =	simm.s32 $0x1400  }
0x1a: {  	s13 =	sadd.s32 s3, s16;
	s15 =	sadd.s32 s3, s7;
	s16 =	sadd.s32 s0, s6  }
0x1b: {  	v0 =	vimm.f32 $0.0e+00;
	s0 =	simm.s32 $0x1380;
	s3 =	simm.s32 $0x2700;
	s6 =	simm.s32 $0x2780  }
.LBB2_1:
0x1c: {  	s7 =	simm.s32 $0x0;
	s8 =	simm.s32 $0x200  }
.LBB2_2:
0x1d: {  	p0 =	sne.s32 s8, $0xFE00;
	[tilespmem:s7+$0x2870] =	vst v0  }
0x1e: {  	[tilespmem:s7+$0x2800] =	vst v0  }
0x1f: {  	[tilespmem:s7+$0x2810] =	vst v0  }
.Ltmp0:
0x20: {  	[tilespmem:s7+$0x2820] =	vst v0;
	(pc) =	sbr.rel @p0 .LBB2_2-.Ltmp0, $4  }
0x21: {  	[tilespmem:s7+$0x2830] =	vst v0  }
0x22: {  	[tilespmem:s7+$0x2840] =	vst v0  }
0x23: {  	[tilespmem:s7+$0x2850] =	vst v0  }
0x24: {  	[tilespmem:s7+$0x2860] =	vst v0;
	s7 =	sshra.s32 s8, $0x2;
	s8 =	sadd.s32 $0x200, s8  }
0x25: {  	[tilespmem:s7+$0x2870] =	vst v0  }
0x26: {  	[tilespmem:s7+$0x2800] =	vst v0  }
0x27: {  	[tilespmem:s7+$0x2810] =	vst v0  }
0x28: {  	[tilespmem:s7+$0x2820] =	vst v0  }
0x29: {  	[tilespmem:s7+$0x2830] =	vst v0  }
0x2a: {  	[tilespmem:s7+$0x2840] =	vst v0  }
0x2b: {  	[tilespmem:s7+$0x2850] =	vst v0  }
0x2c: {  	[tilespmem:s7+$0x2860] =	vst v0  }
0x2d: {  	[spmem:s5] =	stream.linear.scatter [tilespmem:s20], [sflag:$0x3], $0x4000, $0x38;
	[tilespmem:$0x1E800] =	vst v63  }
0x2e: {  	_ =	swait.ge [sflag:s21], $0x4000  }
0x2f: {  	[sflag:s21] =	ssyncset.done $0x0  }
0x30: {  	s11 =	rddreg [dreg:$0x6];
	[sflag:s21] =	ssyncadd.s32 $0xFFFFC000  }
0x31: {  	[spmem:s11] =	stream.linear.scatter [tilespmem:s20], [sflag:$0x3], $0x4000, $0x38;
	[tilespmem:$0x1E800] =	vst v63  }
0x32: {  	_ =	swait.ge [sflag:s21], $0x4000  }
0x33: {  	[sflag:s21] =	ssyncset.done $0x0  }
0x34: {  	s8 =	rddreg [dreg:$0x7];
	[sflag:s21] =	ssyncadd.s32 $0xFFFFC000  }
0x35: {  	[spmem:s8] =	stream.linear.scatter [tilespmem:s20], [sflag:$0x3], $0x4000, $0x38;
	[tilespmem:$0x1E800] =	vst v63  }
0x36: {  	_ =	swait.ge [sflag:s21], $0x4000  }
0x37: {  	[sflag:s21] =	ssyncset.done $0x0  }
0x38: {  	s9 =	rddreg [dreg:$0x8];
	[sflag:s21] =	ssyncadd.s32 $0xFFFFC000  }
0x39: {  	[spmem:s9] =	stream.linear.scatter [tilespmem:s20], [sflag:$0x3], $0x4000, $0x38;
	[tilespmem:$0x1E800] =	vst v63  }
0x3a: {  	_ =	swait.ge [sflag:s21], $0x4000  }
0x3b: {  	[sflag:s21] =	ssyncset.done $0x0  }
0x3c: {  	s10 =	rddreg [dreg:$0x9];
	[sflag:s21] =	ssyncadd.s32 $0xFFFFC000  }
0x3d: {  	[spmem:s10] =	stream.linear.scatter [tilespmem:s20], [sflag:$0x3], $0x4000, $0x38;
	[tilespmem:$0x1E800] =	vst v63  }
0x3e: {  	_ =	swait.ge [sflag:s21], $0x4000  }
0x3f: {  	[sflag:s21] =	ssyncset.done $0x0  }
0x40: {  	[sflag:s21] =	ssyncadd.s32 $0xFFFFC000  }
0x41: {  	s11 =	simm.s32 $0x0;
	[bflag:$0x0] =	sbarrier.arrive $0xFFFF  }
0x42: {  	[tilespmem:s11], [sflag:$0x3] =	stream.linear.gather [hbm4b:s16+s11], $0x1400, $0x38;
	[tilespmem:$0x1E800] =	vst v63  }
0x43: {  	_ =	swait.ge [sflag:s21], $0x1400  }
0x44: {  	[sflag:s21] =	ssyncset.done $0x0  }
0x45: {  	[sflag:s21] =	ssyncadd.s32 $0xFFFFEC00  }
0x46: {  	[tilespmem:s26], [sflag:$0x3] =	stream.linear.gather [hbm4b:s17+s11], $0x1400, $0x38;
	[tilespmem:$0x1E800] =	vst v63  }
0x47: {  	_ =	swait.ge [sflag:s21], $0x1400  }
0x48: {  	[sflag:s21] =	ssyncset.done $0x0  }
0x49: {  	[sflag:s21] =	ssyncadd.s32 $0xFFFFEC00  }
0x4a: {  	[tilespmem:s20], [sflag:$0x1] =	stream.indirect.gather [hbm4b:s4+s28], $0x80, s11, s28, $0xb8;
	[tilespmem:$0x1E800] =	vst v63  }
0x4b: {  	s8 =	simm.s32 $0x80  }
0x4c: {  	[tilespmem:s29], [sflag:$0x2] =	stream.indirect.gather [hbm4b:s4+s28], $0x80, s8, s28, $0xb8;
	[tilespmem:$0x1E800] =	vst v63  }
0x4d: {  	_ =	swait.ge [sflag:s30], $0x4000  }
0x4e: {  	[sflag:s30] =	ssyncset.done $0x0  }
0x4f: {  	s9 =	simm.s32 $0x1400;
	[sflag:s30] =	ssyncadd.s32 $0xFFFFC000  }
0x50: {  	[spmem:s1] =	stream.indirect.scatter.add.f32 [tilespmem:s20], [sflag:$0x3], $0x80, s9, s28, $0xb8;
	[tilespmem:$0x1E800] =	vst v63  }
0x51: {  	_ =	swait.ge [sflag:s21], $0x4000  }
0x52: {  	[sflag:s21] =	ssyncset.done $0x0  }
0x53: {  	s10 =	simm.s32 $0x100;
	[sflag:s21] =	ssyncadd.s32 $0xFFFFC000  }
0x54: {  	[tilespmem:s20], [sflag:$0x1] =	stream.indirect.gather [hbm4b:s4+s28], $0x80, s10, s28, $0xb8;
	[tilespmem:$0x1E800] =	vst v63  }
0x55: {  	_ =	swait.ge [sflag:s31], $0x4000  }
0x56: {  	[sflag:s31] =	ssyncset.done $0x0  }
0x57: {  	s11 =	simm.s32 $0x1480;
	[sflag:s31] =	ssyncadd.s32 $0xFFFFC000  }
0x58: {  	[spmem:s1] =	stream.indirect.scatter.add.f32 [tilespmem:s29], [sflag:$0x3], $0x80, s11, s28, $0xb8;
	[tilespmem:$0x1E800] =	vst v63  }
0x59: {  	_ =	swait.ge [sflag:s21], $0x4000  }
0x5a: {  	s7 =	simm.s32 $0x100;
	s8 =	simm.s32 $0x800;
	[sflag:s21] =	ssyncset.done $0x0  }
.LBB2_4:
0x5b: {  	s9 =	sadd.s32 $0x80, s7  }
0x5c: {  	[sflag:s21] =	ssyncadd.s32 $0xFFFFC000;
	s10 =	smov.u32 s8;
	s11 =	sadd.s32 $0x400, s8  }
0x5d: {  	[tilespmem:s29], [sflag:$0x2] =	stream.indirect.gather [hbm4b:s4+s28], $0x80, s9, s28, $0xb8;
	[tilespmem:$0x1E800] =	vst v63  }
0x5e: {  	p0 =	sne.s32 s8, $0x4800;
	_ =	swait.ge [sflag:s30], $0x4000  }
0x5f: {  	[sflag:s30] =	ssyncset.done $0x0  }
0x60: {  	s8 =	sadd.s32 $0x1400, s7;
	[sflag:s30] =	ssyncadd.s32 $0xFFFFC000  }
0x61: {  	[spmem:s1] =	stream.indirect.scatter.add.f32 [tilespmem:s20], [sflag:$0x3], $0x80, s8, s28, $0xb8;
	[tilespmem:$0x1E800] =	vst v63  }
0x62: {  	_ =	swait.ge [sflag:s21], $0x4000  }
0x63: {  	[sflag:s21] =	ssyncset.done $0x0  }
0x64: {  	s8 =	sadd.s32 $0x100, s7;
	[sflag:s21] =	ssyncadd.s32 $0xFFFFC000  }
0x65: {  	[tilespmem:s20], [sflag:$0x1] =	stream.indirect.gather [hbm4b:s4+s28], $0x80, s8, s28, $0xb8;
	[tilespmem:$0x1E800] =	vst v63  }
0x66: {  	_ =	swait.ge [sflag:s31], $0x4000  }
.Ltmp1:
0x67: {  	[sflag:s31] =	ssyncset.done $0x0;
	(pc) =	sbr.rel @p0 .LBB2_4-.Ltmp1, $4  }
0x68: {  	s7 =	sadd.s32 $0x1480, s7;
	[sflag:s31] =	ssyncadd.s32 $0xFFFFC000  }
0x69: {  	[spmem:s1] =	stream.indirect.scatter.add.f32 [tilespmem:s29], [sflag:$0x3], $0x80, s7, s28, $0xb8;
	[tilespmem:$0x1E800] =	vst v63  }
0x6a: {  	_ =	swait.ge [sflag:s21], $0x4000  }
0x6b: {  	s8 =	smov.u32 s11;
	s7 =	sshra.s32 s10, $0x2;
	[sflag:s21] =	ssyncset.done $0x0  }
0x6c: {  	s8 =	sadd.s32 $0x80, s7;
	[sflag:s21] =	ssyncadd.s32 $0xFFFFC000  }
0x6d: {  	[tilespmem:s29], [sflag:$0x2] =	stream.indirect.gather [hbm4b:s4+s28], $0x80, s8, s28, $0xb8;
	[tilespmem:$0x1E800] =	vst v63  }
0x6e: {  	_ =	swait.ge [sflag:s30], $0x4000  }
0x6f: {  	[sflag:s30] =	ssyncset.done $0x0  }
0x70: {  	s11 =	sadd.s32 $0x1400, s7;
	[sflag:s30] =	ssyncadd.s32 $0xFFFFC000  }
0x71: {  	[spmem:s1] =	stream.indirect.scatter.add.f32 [tilespmem:s20], [sflag:$0x3], $0x80, s11, s28, $0xb8;
	[tilespmem:$0x1E800] =	vst v63  }
0x72: {  	_ =	swait.ge [sflag:s21], $0x4000  }
0x73: {  	[sflag:s21] =	ssyncset.done $0x0  }
0x74: {  	s9 =	sadd.s32 $0x100, s7;
	[sflag:s21] =	ssyncadd.s32 $0xFFFFC000  }
0x75: {  	[tilespmem:s20], [sflag:$0x1] =	stream.indirect.gather [hbm4b:s4+s28], $0x80, s9, s28, $0xb8;
	[tilespmem:$0x1E800] =	vst v63  }
0x76: {  	_ =	swait.ge [sflag:s31], $0x4000  }
0x77: {  	[sflag:s31] =	ssyncset.done $0x0  }
0x78: {  	s10 =	sadd.s32 $0x1480, s7;
	[sflag:s31] =	ssyncadd.s32 $0xFFFFC000  }
0x79: {  	[spmem:s1] =	stream.indirect.scatter.add.f32 [tilespmem:s29], [sflag:$0x3], $0x80, s10, s28, $0xb8;
	[tilespmem:$0x1E800] =	vst v63  }
0x7a: {  	_ =	swait.ge [sflag:s21], $0x4000  }
0x7b: {  	[sflag:s21] =	ssyncset.done $0x0  }
0x7c: {  	[sflag:s21] =	ssyncadd.s32 $0xFFFFC000  }
0x7d: {  	[tilespmem:s29], [sflag:$0x2] =	stream.indirect.gather [hbm4b:s4+s28], $0x80, s0, s28, $0xb8;
	[tilespmem:$0x1E800] =	vst v63  }
0x7e: {  	_ =	swait.ge [sflag:s30], $0x4000  }
0x7f: {  	[sflag:s30] =	ssyncset.done $0x0  }
0x80: {  	[sflag:s30] =	ssyncadd.s32 $0xFFFFC000  }
0x81: {  	[spmem:s1] =	stream.indirect.scatter.add.f32 [tilespmem:s20], [sflag:$0x3], $0x80, s3, s28, $0xb8;
	[tilespmem:$0x1E800] =	vst v63  }
0x82: {  	_ =	swait.ge [sflag:s21], $0x4000  }
0x83: {  	[sflag:s21] =	ssyncset.done $0x0  }
0x84: {  	[sflag:s21] =	ssyncadd.s32 $0xFFFFC000  }
0x85: {  	_ =	swait.ge [sflag:s31], $0x4000  }
0x86: {  	[sflag:s31] =	ssyncset.done $0x0  }
0x87: {  	[sflag:s31] =	ssyncadd.s32 $0xFFFFC000  }
0x88: {  	[spmem:s1] =	stream.indirect.scatter.add.f32 [tilespmem:s29], [sflag:$0x3], $0x80, s6, s28, $0xb8;
	[tilespmem:$0x1E800] =	vst v63  }
0x89: {  	_ =	swait.ge [sflag:s21], $0x4000  }
0x8a: {  	[sflag:s21] =	ssyncset.done $0x0  }
0x8b: {  	s11 =	simm.s32 $0x0;
	[sflag:s21] =	ssyncadd.s32 $0xFFFFC000  }
0x8c: {  	[tilespmem:s11], [sflag:$0x3] =	stream.linear.gather [hbm4b:s18+s11], $0x1400, $0x38;
	[tilespmem:$0x1E800] =	vst v63  }
0x8d: {  	_ =	swait.ge [sflag:s21], $0x1400  }
0x8e: {  	[sflag:s21] =	ssyncset.done $0x0  }
0x8f: {  	[sflag:s21] =	ssyncadd.s32 $0xFFFFEC00  }
0x90: {  	[tilespmem:s26], [sflag:$0x3] =	stream.linear.gather [hbm4b:s19+s11], $0x1400, $0x38;
	[tilespmem:$0x1E800] =	vst v63  }
0x91: {  	_ =	swait.ge [sflag:s21], $0x1400  }
0x92: {  	[sflag:s21] =	ssyncset.done $0x0  }
0x93: {  	[sflag:s21] =	ssyncadd.s32 $0xFFFFEC00  }
0x94: {  	[tilespmem:s20], [sflag:$0x1] =	stream.indirect.gather [hbm4b:s4+s28], $0x80, s11, s28, $0xb8;
	[tilespmem:$0x1E800] =	vst v63  }
0x95: {  	s8 =	simm.s32 $0x80  }
0x96: {  	[tilespmem:s29], [sflag:$0x2] =	stream.indirect.gather [hbm4b:s4+s28], $0x80, s8, s28, $0xb8;
	[tilespmem:$0x1E800] =	vst v63  }
0x97: {  	_ =	swait.ge [sflag:s30], $0x4000  }
0x98: {  	[sflag:s30] =	ssyncset.done $0x0  }
0x99: {  	s9 =	simm.s32 $0x1400;
	[sflag:s30] =	ssyncadd.s32 $0xFFFFC000  }
0x9a: {  	[spmem:s1] =	stream.indirect.scatter.add.f32 [tilespmem:s20], [sflag:$0x3], $0x80, s9, s28, $0xb8;
	[tilespmem:$0x1E800] =	vst v63  }
0x9b: {  	_ =	swait.ge [sflag:s21], $0x4000  }
0x9c: {  	[sflag:s21] =	ssyncset.done $0x0  }
0x9d: {  	s10 =	simm.s32 $0x100;
	[sflag:s21] =	ssyncadd.s32 $0xFFFFC000  }
0x9e: {  	[tilespmem:s20], [sflag:$0x1] =	stream.indirect.gather [hbm4b:s4+s28], $0x80, s10, s28, $0xb8;
	[tilespmem:$0x1E800] =	vst v63  }
0x9f: {  	_ =	swait.ge [sflag:s31], $0x4000  }
0xa0: {  	[sflag:s31] =	ssyncset.done $0x0  }
0xa1: {  	s11 =	simm.s32 $0x1480;
	[sflag:s31] =	ssyncadd.s32 $0xFFFFC000  }
0xa2: {  	[spmem:s1] =	stream.indirect.scatter.add.f32 [tilespmem:s29], [sflag:$0x3], $0x80, s11, s28, $0xb8;
	[tilespmem:$0x1E800] =	vst v63  }
0xa3: {  	_ =	swait.ge [sflag:s21], $0x4000  }
0xa4: {  	s7 =	simm.s32 $0x100;
	s8 =	simm.s32 $0x800;
	[sflag:s21] =	ssyncset.done $0x0  }
.LBB2_6:
0xa5: {  	s9 =	sadd.s32 $0x80, s7  }
0xa6: {  	[sflag:s21] =	ssyncadd.s32 $0xFFFFC000;
	s10 =	smov.u32 s8;
	s11 =	sadd.s32 $0x400, s8  }
0xa7: {  	[tilespmem:s29], [sflag:$0x2] =	stream.indirect.gather [hbm4b:s4+s28], $0x80, s9, s28, $0xb8;
	[tilespmem:$0x1E800] =	vst v63  }
0xa8: {  	p0 =	sne.s32 s8, $0x4800;
	_ =	swait.ge [sflag:s30], $0x4000  }
0xa9: {  	[sflag:s30] =	ssyncset.done $0x0  }
0xaa: {  	s8 =	sadd.s32 $0x1400, s7;
	[sflag:s30] =	ssyncadd.s32 $0xFFFFC000  }
0xab: {  	[spmem:s1] =	stream.indirect.scatter.add.f32 [tilespmem:s20], [sflag:$0x3], $0x80, s8, s28, $0xb8;
	[tilespmem:$0x1E800] =	vst v63  }
0xac: {  	_ =	swait.ge [sflag:s21], $0x4000  }
0xad: {  	[sflag:s21] =	ssyncset.done $0x0  }
0xae: {  	s8 =	sadd.s32 $0x100, s7;
	[sflag:s21] =	ssyncadd.s32 $0xFFFFC000  }
0xaf: {  	[tilespmem:s20], [sflag:$0x1] =	stream.indirect.gather [hbm4b:s4+s28], $0x80, s8, s28, $0xb8;
	[tilespmem:$0x1E800] =	vst v63  }
0xb0: {  	_ =	swait.ge [sflag:s31], $0x4000  }
.Ltmp2:
0xb1: {  	[sflag:s31] =	ssyncset.done $0x0;
	(pc) =	sbr.rel @p0 .LBB2_6-.Ltmp2, $4  }
0xb2: {  	s7 =	sadd.s32 $0x1480, s7;
	[sflag:s31] =	ssyncadd.s32 $0xFFFFC000  }
0xb3: {  	[spmem:s1] =	stream.indirect.scatter.add.f32 [tilespmem:s29], [sflag:$0x3], $0x80, s7, s28, $0xb8;
	[tilespmem:$0x1E800] =	vst v63  }
0xb4: {  	_ =	swait.ge [sflag:s21], $0x4000  }
0xb5: {  	s8 =	smov.u32 s11;
	s7 =	sshra.s32 s10, $0x2;
	[sflag:s21] =	ssyncset.done $0x0  }
0xb6: {  	s8 =	sadd.s32 $0x80, s7;
	[sflag:s21] =	ssyncadd.s32 $0xFFFFC000  }
0xb7: {  	[tilespmem:s29], [sflag:$0x2] =	stream.indirect.gather [hbm4b:s4+s28], $0x80, s8, s28, $0xb8;
	[tilespmem:$0x1E800] =	vst v63  }
0xb8: {  	_ =	swait.ge [sflag:s30], $0x4000  }
0xb9: {  	[sflag:s30] =	ssyncset.done $0x0  }
0xba: {  	s10 =	sadd.s32 $0x1400, s7;
	[sflag:s30] =	ssyncadd.s32 $0xFFFFC000  }
0xbb: {  	[spmem:s1] =	stream.indirect.scatter.add.f32 [tilespmem:s20], [sflag:$0x3], $0x80, s10, s28, $0xb8;
	[tilespmem:$0x1E800] =	vst v63  }
0xbc: {  	_ =	swait.ge [sflag:s21], $0x4000  }
0xbd: {  	[sflag:s21] =	ssyncset.done $0x0  }
0xbe: {  	s11 =	sadd.s32 $0x100, s7;
	[sflag:s21] =	ssyncadd.s32 $0xFFFFC000  }
0xbf: {  	[tilespmem:s20], [sflag:$0x1] =	stream.indirect.gather [hbm4b:s4+s28], $0x80, s11, s28, $0xb8;
	[tilespmem:$0x1E800] =	vst v63  }
0xc0: {  	_ =	swait.ge [sflag:s31], $0x4000  }
0xc1: {  	[sflag:s31] =	ssyncset.done $0x0  }
0xc2: {  	s8 =	sadd.s32 $0x1480, s7;
	[sflag:s31] =	ssyncadd.s32 $0xFFFFC000  }
0xc3: {  	[spmem:s1] =	stream.indirect.scatter.add.f32 [tilespmem:s29], [sflag:$0x3], $0x80, s8, s28, $0xb8;
	[tilespmem:$0x1E800] =	vst v63  }
0xc4: {  	_ =	swait.ge [sflag:s21], $0x4000  }
0xc5: {  	[sflag:s21] =	ssyncset.done $0x0  }
0xc6: {  	[sflag:s21] =	ssyncadd.s32 $0xFFFFC000  }
0xc7: {  	[tilespmem:s29], [sflag:$0x2] =	stream.indirect.gather [hbm4b:s4+s28], $0x80, s0, s28, $0xb8;
	[tilespmem:$0x1E800] =	vst v63  }
0xc8: {  	_ =	swait.ge [sflag:s30], $0x4000  }
0xc9: {  	[sflag:s30] =	ssyncset.done $0x0  }
0xca: {  	[sflag:s30] =	ssyncadd.s32 $0xFFFFC000  }
0xcb: {  	[spmem:s1] =	stream.indirect.scatter.add.f32 [tilespmem:s20], [sflag:$0x3], $0x80, s3, s28, $0xb8;
	[tilespmem:$0x1E800] =	vst v63  }
0xcc: {  	_ =	swait.ge [sflag:s21], $0x4000  }
0xcd: {  	[sflag:s21] =	ssyncset.done $0x0  }
0xce: {  	[sflag:s21] =	ssyncadd.s32 $0xFFFFC000  }
0xcf: {  	_ =	swait.ge [sflag:s31], $0x4000  }
0xd0: {  	[sflag:s31] =	ssyncset.done $0x0  }
0xd1: {  	[sflag:s31] =	ssyncadd.s32 $0xFFFFC000  }
0xd2: {  	[spmem:s1] =	stream.indirect.scatter.add.f32 [tilespmem:s29], [sflag:$0x3], $0x80, s6, s28, $0xb8;
	[tilespmem:$0x1E800] =	vst v63  }
0xd3: {  	_ =	swait.ge [sflag:s21], $0x4000  }
0xd4: {  	[sflag:s21] =	ssyncset.done $0x0  }
0xd5: {  	s9 =	stileid.u32;
	[sflag:s21] =	ssyncadd.s32 $0xFFFFC000  }
0xd6: {  	s7 =	sshll.u32 s9, $0x6;
	[bflag:$0x0] =	sbarrier.arrive $0xFFFF  }
0xd7: {  	s7 =	sor.u32 $0x1C03, s7;
	s10 =	sshrl.u32 s5, $0x3;
	s9 =	rddreg [dreg:$0x4]  }
0xd8: {  	[hbm:s9], [sflag:s7] =	dma.local [spmem:s10], $0x800  }
0xd9: {  	_ =	swait.ge [sflag:s21], $0x800  }
0xda: {  	[sflag:s21] =	ssyncset.done $0x0  }
0xdb: {  	[sflag:s21] =	ssyncadd.s32 $0xFFFFF800  }
0xdc: {  	[hbm:s12], [sflag:s7] =	dma.local [spmem:s22], $0x800  }
0xdd: {  	_ =	swait.ge [sflag:s21], $0x800  }
0xde: {  	[sflag:s21] =	ssyncset.done $0x0  }
0xdf: {  	[sflag:s21] =	ssyncadd.s32 $0xFFFFF800  }
0xe0: {  	[hbm:s13], [sflag:s7] =	dma.local [spmem:s23], $0x800  }
0xe1: {  	_ =	swait.ge [sflag:s21], $0x800  }
0xe2: {  	[sflag:s21] =	ssyncset.done $0x0  }
0xe3: {  	[sflag:s21] =	ssyncadd.s32 $0xFFFFF800  }
0xe4: {  	[hbm:s14], [sflag:s7] =	dma.local [spmem:s24], $0x800  }
0xe5: {  	_ =	swait.ge [sflag:s21], $0x800  }
0xe6: {  	[sflag:s21] =	ssyncset.done $0x0  }
0xe7: {  	[sflag:s21] =	ssyncadd.s32 $0xFFFFF800  }
0xe8: {  	[hbm:s15], [sflag:s7] =	dma.local [spmem:s25], $0x800  }
0xe9: {  	_ =	swait.ge [sflag:s21], $0x800  }
0xea: {  	s2 =	sadd.s32 $0x1, s2;
	s11 =	rddreg [dreg:$0x5]  }
0xeb: {  	p0 =	sne.s32 s2, s11  }
.Ltmp3:
0xec: {  	_ = 	snop;
	(pc) =	sbr.rel @p0 .LBB2_1-.Ltmp3, $3  }
0xed: {  	_ =	sdelay $0x1  }
0xee: {  	[sflag:s21] =	ssyncset.done $0x0  }
0xef: {  	[sflag:s21] =	ssyncadd.s32 $0xFFFFF800  }
0xf0: {  	_ =	sfence.sel $0x180000  }
0xf1: {  	[bflag:$0x0] =	sbarrier.arrive $0xFFFF  }
0xf2: {  	_ =	strace $0x9000004A  }
0xf3: {  	s0 =	stileid.u32;
	[bflag:$0x2] =	sbarrier.arrive $0xFFFF  }
0xf4: {  	p0 =	sne.s32 s0, $0x0;
	s0 =	rddreg [dreg:$0x3]  }
0xf5: {  	s0 =	sadd.s32 @!p0 $0x100000, s0  }
0xf6: {  	[sflag:s0] =	ssyncadd.tile.s32 @!p0 $0x1;
	_ =	shalt  }
.Lfunc_end2:
_tile_overlayer_lowered:
.L_overlay_start_2:
0xf7: {  	(tag) =	ssettag $0x2  }
0xf8: {  	s0 =	rddreg [dreg:$0x0];
	s2 =	stileid.u32  }
0xf9: {  	s1 =	rddreg [dreg:$0x1];
	p0 =	sne.s32 s2, $0x0  }
0xfa: {  	s3 =	rddreg [dreg:$0x2];
	[bflag:$0x3] =	sbarrier.arrive $0xFFFF;
	s2 =	simm.s32 @!p0 $0x1C03  }
0xfb: {  	[timem:s3], [sflag:s2] =	dma.local @!p0 [hbm:s0], s1  }
0xfc: {  	s0 =	simm.s32 @!p0 $0x3  }
0xfd: {  	_ =	swait.ge @!p0 [sflag:s0], s1  }
0xfe: {  	s1 =	ssub.s32 @!p0 $0x0, s1;
	[sflag:s0] =	ssyncset.done @!p0 $0x0  }
0xff: {  	[sflag:s0] =	ssyncadd.s32 @!p0 s1  }
0x100: {  	[bflag:$0x3] =	sbarrier.arrive $0xFFFF  }
0x101: {  	_ =	shalt  }

// kernel: kernel.14.cloned.1.call-start
scs
__scs_entry_jumppad:
0x0: {  	(pc) =	sbr.rel $0x88, $3  }
0x1: {  	(tag) =	ssettag $0x0;
	lr =	simm.s32 $0x1  }
0x2: {  	[smem:$0x3F9B] =	sst lr;
	_ =	strace $0xD0000000  }
0x3: {  	_ = 	snop  }
0x4: {  	_ = 	snop  }
0x5: {  	_ = 	snop  }
0x6: {  	_ = 	snop  }
0x7: {  	_ = 	snop  }
__scs_overlays_trampoline_lowered:
0x8: {  	[smem:$0x3FAA] =	sst s0  }
0x9: {  	[smem:$0x3FAB] =	sst s1  }
0xa: {  	[smem:$0x3FAC] =	sst s2  }
0xb: {  	[smem:$0x3FAD] =	sst s3  }
0xc: {  	[smem:$0x3FAE] =	sst s4  }
0xd: {  	[smem:$0x3FAF] =	sst s5  }
0xe: {  	[smem:$0x3FB0] =	sst s6  }
0xf: {  	[smem:$0x3FB1] =	sst s7  }
0x10: {  	[smem:$0x3FB2] =	sst s8  }
0x11: {  	[smem:$0x3FB3] =	sst s9;
	s0 =	simm.s32 @!p0 $0x0  }
0x12: {  	s1 =	sld [smem:$0x3F99];
	s0 =	simm.s32 @p0 $0x1  }
0x13: {  	[smem:$0x3FB4] =	sst s0;
	s0 =	simm.s32 @!p1 $0x0  }
0x14: {  	s2 =	sld [smem:$0x3F98];
	s0 =	simm.s32 @p1 $0x1  }
0x15: {  	[smem:$0x3FB5] =	sst s0;
	s0 =	simm.s32 @!p2 $0x0  }
0x16: {  	s3 =	sld [smem:$0x3FDB];
	s0 =	simm.s32 @p2 $0x1  }
0x17: {  	s4 =	simm.s32 $0x1BF5;
	[smem:$0x3FB7] =	sst s0  }
0x18: {  	s0 =	sld [smem:$0x3F9A];
	_ =	swait.ge [sflag:s4], $0x0  }
0x19: {  	s7 =	sld [smem:$0x3F9B]  }
0x1a: {  	s8 =	sadd.s32 $0xFFFFE003, lr  }
0x1b: {  	s9 =	sadd.s32 $0xFFFFFEF7, lr;
	s5 =	simm.s32 $0xFFFFFFFF;
	p2 =	slt.u32 s8, $0xFFFFF086  }
0x1c: {  	p1 =	slt.u32 s9, $0xF7A;
	s5 =	simm.s32 @!p2 $0x0  }
0x1d: {  	s5 =	simm.s32 @p1 $0x1;
	p0 =	seq.s32 s7, s2  }
0x1e: {  	s7 =	smul.u32 @!p0 $0xF7A, s2;
	p2 =	seq.s32 @!p0 s5, $0x0  }
0x1f: {  	s9 =	smul.u32 $0xF7A, s1;
	s8 =	simm.s32 @!p0 $0x1BF5;
	p2 =	por !p2, p0  }
0x20: {  	[sflag:s8] =	ssyncset.s32 @!p0 $0xFFFFF086;
	s6 =	sadd.s32 @!p0 s3, s7;
	s7 =	simm.s32 @!p0 $0x108  }
0x21: {  	s3 =	sadd.s32 s3, s9;
	s6 =	sadd.s32 @!p0 $0x88, s6;
	s7 =	simm.s32 @p2 $0x1082  }
0x22: {  	[simem:s7], [sflag:s8] =	dma.local @!p0 [hbm:s6], $0xF7A  }
0x23: {  	s9 =	sor.u32 $0xD0000000, s2;
	s6 =	simm.s32 $0x108;
	_ =	swait.ge @!p0 [sflag:s8], $0x0  }
0x24: {  	s3 =	sadd.s32 $0x88, s3;
	s6 =	simm.s32 @!p1 $0x1082;
	[sflag:s4] =	ssyncset.s32 $0xFFFFF086  }
0x25: {  	[simem:s6], [sflag:s4] =	dma.local [hbm:s3], $0xF7A  }
0x26: {  	[smem:$0x3F9B] =	sst s1;
	(tag) =	ssettag s2;
	_ =	strace s9  }
0x27: {  	s1 =	sld [smem:$0x3FAB]  }
0x28: {  	s2 =	sld [smem:$0x3FAC]  }
0x29: {  	s4 =	sld [smem:$0x3FAE]  }
0x2a: {  	p0 =	seq.s32 s5, $0x0;
	s5 =	sld [smem:$0x3FAF]  }
0x2b: {  	s6 =	sld [smem:$0x3FB0]  }
0x2c: {  	s7 =	sld [smem:$0x3FB1]  }
0x2d: {  	s3 =	simm.s32 $0x108;
	s8 =	sld [smem:$0x3FB2]  }
0x2e: {  	s3 =	simm.s32 @!p0 $0x1082;
	s9 =	sld [smem:$0x3FB3]  }
0x2f: {  	lr =	sadd.s32 s0, s3;
	s0 =	sld [smem:$0x3FAA]  }
0x30: {  	s3 =	sld [smem:$0x3FAD]  }
0x31: {  	[smem:$0x3FB6] =	sst s10  }
0x32: {  	s10 =	sld [smem:$0x3FB4];
	_ =	sdelay $0x3  }
0x33: {  	p0 =	seq.s32 s10, $0x1;
	s10 =	sld [smem:$0x3FB6];
	_ =	sdelay $0x3  }
0x34: {  	[smem:$0x3FB6] =	sst s10  }
0x35: {  	s10 =	sld [smem:$0x3FB5];
	_ =	sdelay $0x3  }
0x36: {  	p1 =	seq.s32 s10, $0x1;
	s10 =	sld [smem:$0x3FB6];
	_ =	sdelay $0x3  }
0x37: {  	[smem:$0x3FB6] =	sst s10  }
0x38: {  	s10 =	sld [smem:$0x3FB7]  }
0x39: {  	_ = 	snop;
	(pc) =	sbr.ind lr, $3  }
0x3a: {  	_ = 	snop  }
0x3b: {  	_ = 	snop  }
0x3c: {  	p2 =	seq.s32 s10, $0x1;
	s10 =	sld [smem:$0x3FB6]  }
0x3d: {  	_ =	shalt  }
0x3e: {  	_ =	shalt  }
0x3f: {  	_ =	shalt  }
0x40: {  	_ =	shalt  }
0x41: {  	_ =	shalt  }
0x42: {  	_ =	shalt  }
0x43: {  	_ =	shalt  }
0x44: {  	_ =	shalt  }
0x45: {  	_ =	shalt  }
0x46: {  	_ =	shalt  }
0x47: {  	_ =	shalt  }
0x48: {  	_ =	shalt  }
0x49: {  	_ =	shalt  }
0x4a: {  	_ =	shalt  }
0x4b: {  	_ =	shalt  }
0x4c: {  	_ =	shalt  }
0x4d: {  	_ =	shalt  }
0x4e: {  	_ =	shalt  }
0x4f: {  	_ =	shalt  }
0x50: {  	_ =	shalt  }
0x51: {  	_ =	shalt  }
0x52: {  	_ =	shalt  }
0x53: {  	_ =	shalt  }
0x54: {  	_ =	shalt  }
0x55: {  	_ =	shalt  }
0x56: {  	_ =	shalt  }
0x57: {  	_ =	shalt  }
0x58: {  	_ =	shalt  }
0x59: {  	_ =	shalt  }
0x5a: {  	_ =	shalt  }
0x5b: {  	_ =	shalt  }
0x5c: {  	_ =	shalt  }
0x5d: {  	_ =	shalt  }
0x5e: {  	_ =	shalt  }
0x5f: {  	_ =	shalt  }
0x60: {  	_ =	shalt  }
0x61: {  	_ =	shalt  }
0x62: {  	_ =	shalt  }
0x63: {  	_ =	shalt  }
0x64: {  	_ =	shalt  }
0x65: {  	_ =	shalt  }
0x66: {  	_ =	shalt  }
0x67: {  	_ =	shalt  }
0x68: {  	_ =	shalt  }
0x69: {  	_ =	shalt  }
0x6a: {  	_ =	shalt  }
0x6b: {  	_ =	shalt  }
0x6c: {  	_ =	shalt  }
0x6d: {  	_ =	shalt  }
0x6e: {  	_ =	shalt  }
0x6f: {  	_ =	shalt  }
0x70: {  	_ =	shalt  }
0x71: {  	_ =	shalt  }
0x72: {  	_ =	shalt  }
0x73: {  	_ =	shalt  }
0x74: {  	_ =	shalt  }
0x75: {  	_ =	shalt  }
0x76: {  	_ =	shalt  }
0x77: {  	_ =	shalt  }
0x78: {  	_ =	shalt  }
0x79: {  	_ =	shalt  }
0x7a: {  	_ =	shalt  }
0x7b: {  	_ =	shalt  }
0x7c: {  	_ =	shalt  }
0x7d: {  	_ =	shalt  }
0x7e: {  	_ =	shalt  }
0x7f: {  	_ =	shalt  }
0x80: {  	_ =	shalt  }
0x81: {  	_ =	shalt  }
0x82: {  	_ =	shalt  }
0x83: {  	_ =	shalt  }
0x84: {  	_ =	shalt  }
0x85: {  	_ =	shalt  }
0x86: {  	_ =	shalt  }
0x87: {  	_ =	shalt  }
.Lfunc_end0:
.L_simem_size_0:
called_computation.2_lowered:
.L_overlay_start_0:
0x88: {  	s2 =	sld [smem:$0x3FD9]  }
0x89: {  	s3 =	sld [smem:$0x3FFE];
	_ =	sdelay $0x1  }
0x8a: {  	s1 =	srdreg.scid  }
0x8b: {  	s0 =	sand.u32 $0x1, s1  }
0x8c: {  	s17 =	sshll.u32 s0, $0xA;
	s2 =	sadd.s32 s3, s2  }
0x8d: {  	s2 =	sadd.s32 s2, s17  }
0x8e: {  	[smem:$0x3FC2] =	sst s2  }
0x8f: {  	_ = 	snop  }
0x90: {  	s2 =	sld [smem:$0x3FD0];
	(tm) =	ssettm $0x1  }
0x91: {  	s18 =	sld [smem:$0x3FFB];
	_ =	sdelay $0x3  }
0x92: {  	_ =	strace s18  }
0x93: {  	s3 =	sld [smem:$0x3FFC];
	_ =	sdelay $0x3  }
0x94: {  	_ =	strace s3  }
0x95: {  	s3 =	sld [smem:$0x3FFD];
	_ =	sdelay $0x3  }
0x96: {  	_ =	strace s3  }
0x97: {  	_ =	strace $0x8FFFFFFF  }
0x98: {  	s19 =	sld [smem:$0x3FDB];
	_ =	sdelay $0x1  }
0x99: {  	s4 =	simm.s32 $_scs_section_size  }
0x9a: {  	s5 =	simm.s32 $_size__tile_overlayer_lowered;
	s6 =	simm.s32 $_tile_overlayer_lowered  }
0x9b: {  	s22 =	simm.s32 $0x1BFF;
	s21 =	sshll.u32 s6, $0x1;
	s3 =	sadd.s32 s4, s19  }
0x9c: {  	s7 =	simm.s32 $0x0;
	s20 =	sshll.u32 s5, $0x1;
	s5 =	sadd.s32 s21, s3  }
0x9d: {  	[timem:s7], [sflag:s22] =	dma.local [hbm:s5], s20  }
0x9e: {  	_ =	swait.ge [sflag:s22], s20  }
0x9f: {  	s4 =	ssub.s32 $0x0, s20;
	[sflag:s22] =	ssyncset.done $0x0  }
0xa0: {  	[sflag:s22] =	ssyncadd.s32 s4;
	_ =	sdelay $0x1  }
0xa1: {  	s23 =	simm.s32 $0x1B8B  }
0xa2: {  	_ =	swait.ge [sflag:s23], $0x1  }
0xa3: {  	[sflag:s23] =	ssyncset.done $0x0  }
0xa4: {  	s25 =	simm.s32 $0x1B8E;
	s24 =	sld [smem:$0x3FFE];
	[sflag:s23] =	ssyncadd.s32 $0xFFFFFFFF  }
0xa5: {  	s26 =	simm.s32 $execute0_lowered;
	[smem:$0x3FD2] =	sst s25  }
0xa6: {  	s5 =	sshll.u32 s26, $0x1;
	_ =	strace $0x8000004C;
	[dreg:$0x1] =	wrdreg $0xFFFFFFFF  }
0xa7: {  	s28 =	simm.s32 $_size_execute0_lowered;
	s3 =	sadd.s32 s3, s5;
	[dreg:$0x0] =	wrdreg $0x0  }
0xa8: {  	s5 =	sshll.u32 s28, $0x1;
	[dreg:$0x2] =	wrdreg s3  }
0xa9: {  	[dreg:$0x3] =	wrdreg s5  }
0xaa: {  	[dreg:$0x4] =	wrdreg $0xC0  }
0xab: {  	_ =	task [dreg:s7], $0x5FFFF  }
0xac: {  	[dreg:$0x1] =	wrdreg $0xFFFFFFFF  }
0xad: {  	[dreg:$0x0] =	wrdreg $0x60  }
0xae: {  	[dreg:$0x2] =	wrdreg s2  }
0xaf: {  	[dreg:$0x3] =	wrdreg s24  }
0xb0: {  	[dreg:$0x4] =	wrdreg $0xA8000  }
0xb1: {  	[dreg:$0x5] =	wrdreg $0x9  }
0xb2: {  	_ =	task.clear_ibuf [dreg:s7], $0x6FFFF;
	_ =	strace $0x9000004C  }
0xb3: {  	s29 =	simm.s32 $0x9;
	_ =	strace $0x8000004E  }
0xb4: {  	_ =	swait.ge [sflag:s29], $0x1  }
0xb5: {  	[sflag:s29] =	ssyncadd.s32 $0xFFFFFFFF  }
0xb6: {  	_ =	strace $0x9000004E  }
0xb7: {  	_ =	sfence  }
0xb8: {  	s30 =	sld [smem:$0x0];
	_ =	sdelay $0x2  }
0xb9: {  	s31 =	sshll.u32 s1, $0xD;
	s1 =	sshrl.u32 s1, $0x2  }
0xba: {  	s3 =	sand.u32 $0x4000, s31;
	s1 =	sadd.s32 s1, s30  }
0xbb: {  	s0 =	sor.u32 s3, s0;
	s1 =	sshll.u32 s1, $0x11  }
0xbc: {  	s0 =	sor.u32 s1, s0  }
0xbd: {  	s0 =	sadd.s32 $0x8F2B, s0  }
0xbe: {  	[sflag:s0] =	ssyncadd.remote.s32 $0x1  }
0xbf: {  	_ =	sfence.sel $0xFFFF  }
0xc0: {  	[dreg:$0x0] =	wrdreg $0xFFFFFFFF;
	(pc) =	sbr.abs _section_cstart, $3  }
0xc1: {  	[dreg:$0x1] =	wrdreg $0xFFFFFFFF  }
0xc2: {  	_ =	task.clear_ibuf [dreg:s7], $0x2FFFF;
	_ =	strace $0x9FFFFFFF  }
0xc3: {  	(tm) =	ssettm $0x7FFFFFFF  }
tec
execute0_lowered:
.L_overlay_start_1:
0x0: {  	(tag) =	ssettag $0x1  }
0x1: {  	s0 =	rddreg [dreg:$0x0]  }
0x2: {  	s3 =	rddreg [dreg:$0x1]  }
0x3: {  	s1 =	rddreg [dreg:$0x2];
	s2 =	simm.s32 $0x0  }
0x4: {  	s4 =	srdreg.scid;
	s11 =	stileid.u32;
	s28 =	simm.s32 $0x80  }
0x5: {  	s29 =	simm.s32 $0x6800;
	s30 =	simm.s32 $0x1;
	s31 =	simm.s32 $0x2  }
0x6: {  	[smem:$0x7FF] =	sst s2;
	s6 =	sand.u32 $0x1, s4;
	s14 =	smul.u32 $0x14000, s11  }
0x7: {  	s8 =	sadd.s32 $0xC800, s3;
	s4 =	sadd.s32 $0x16800, s3;
	s10 =	smul.u32 $0x50000, s11  }
0x8: {  	s3 =	sadd.s32 $0x3E800, s3;
	s11 =	sshll.u32 s11, $0x1;
	_ =	strace $0x8000004D  }
0x9: {  	s7 =	smul.u32 $0x140000, s6;
	s5 =	ssub.s32 $0x2, s6;
	s6 =	sor.u32 s6, s11  }
0xa: {  	s9 =	sshrl.u32 s5, $0x1;
	s10 =	sshrl.u32 s10, $0x2;
	s20 =	sadd.s32 $0xC000, s14  }
0xb: {  	s6 =	smul.u32 $0x500, s6;
	s9 =	ssub.s32 s5, s9;
	s26 =	sadd.s32 s7, s14  }
0xc: {  	s5 =	sadd.s32 s10, s1;
	s21 =	sadd.s32 s7, s20;
	s12 =	sshrl.u32 s26, $0x3  }
0xd: {  	s9 =	smax.u32 s9, $0x1;
	s13 =	sadd.s32 $0x4000, s5;
	s15 =	sadd.s32 $0x8000, s5  }
0xe: {  	s17 =	sadd.s32 $0xC000, s5;
	s19 =	sadd.s32 $0x10000, s5;
	[dreg:$0x5] =	wrdreg s9  }
0xf: {  	s24 =	sshrl.u32 s21, $0x3;
	s26 =	sadd.s32 $0x280, s6;
	[dreg:$0x6] =	wrdreg s13  }
0x10: {  	s21 =	simm.s32 $0x3;
	s12 =	sadd.s32 s3, s12;
	[dreg:$0x7] =	wrdreg s15  }
0x11: {  	s13 =	sadd.s32 $0x4000, s14;
	s15 =	sadd.s32 $0x8000, s14;
	[dreg:$0x8] =	wrdreg s17  }
0x12: {  	[dreg:$0x9] =	wrdreg s19;
	s17 =	sadd.s32 $0x10000, s14;
	s14 =	sadd.s32 s3, s24  }
0x13: {  	s24 =	sadd.s32 s20, s1;
	s19 =	sadd.s32 s8, s26;
	s20 =	simm.s32 $0x2800  }
0x14: {  	[dreg:$0x4] =	wrdreg s12;
	s16 =	sadd.s32 s7, s13;
	s22 =	sadd.s32 s13, s1  }
0x15: {  	s23 =	sadd.s32 s15, s1;
	s25 =	sadd.s32 s17, s1;
	s24 =	sshrl.u32 s24, $0x3  }
0x16: {  	s18 =	sshrl.u32 s16, $0x3;
	s16 =	sadd.s32 s7, s15;
	s7 =	sadd.s32 s7, s17  }
0x17: {  	s17 =	sadd.s32 s8, s6;
	s22 =	sshrl.u32 s22, $0x3;
	s23 =	sshrl.u32 s23, $0x3  }
0x18: {  	s25 =	sshrl.u32 s25, $0x3;
	s12 =	sadd.s32 s3, s18;
	s16 =	sshrl.u32 s16, $0x3  }
0x19: {  	s7 =	sshrl.u32 s7, $0x3;
	s18 =	sadd.s32 s0, s26;
	s26 =	simm.s32 $0x1400  }
0x1a: {  	s13 =	sadd.s32 s3, s16;
	s15 =	sadd.s32 s3, s7;
	s16 =	sadd.s32 s0, s6  }
0x1b: {  	v0 =	vimm.f32 $0.0e+00;
	s0 =	simm.s32 $0x1380;
	s3 =	simm.s32 $0x2700;
	s6 =	simm.s32 $0x2780  }
.LBB2_1:
0x1c: {  	s7 =	simm.s32 $0x0;
	s8 =	simm.s32 $0x200  }
.LBB2_2:
0x1d: {  	p0 =	sne.s32 s8, $0xFE00;
	[tilespmem:s7+$0x2870] =	vst v0  }
0x1e: {  	[tilespmem:s7+$0x2800] =	vst v0  }
0x1f: {  	[tilespmem:s7+$0x2810] =	vst v0  }
.Ltmp0:
0x20: {  	[tilespmem:s7+$0x2820] =	vst v0;
	(pc) =	sbr.rel @p0 .LBB2_2-.Ltmp0, $4  }
0x21: {  	[tilespmem:s7+$0x2830] =	vst v0  }
0x22: {  	[tilespmem:s7+$0x2840] =	vst v0  }
0x23: {  	[tilespmem:s7+$0x2850] =	vst v0  }
0x24: {  	[tilespmem:s7+$0x2860] =	vst v0;
	s7 =	sshra.s32 s8, $0x2;
	s8 =	sadd.s32 $0x200, s8  }
0x25: {  	[tilespmem:s7+$0x2870] =	vst v0  }
0x26: {  	[tilespmem:s7+$0x2800] =	vst v0  }
0x27: {  	[tilespmem:s7+$0x2810] =	vst v0  }
0x28: {  	[tilespmem:s7+$0x2820] =	vst v0  }
0x29: {  	[tilespmem:s7+$0x2830] =	vst v0  }
0x2a: {  	[tilespmem:s7+$0x2840] =	vst v0  }
0x2b: {  	[tilespmem:s7+$0x2850] =	vst v0  }
0x2c: {  	[tilespmem:s7+$0x2860] =	vst v0  }
0x2d: {  	[spmem:s5] =	stream.linear.scatter [tilespmem:s20], [sflag:$0x3], $0x4000, $0x38;
	[tilespmem:$0x1E800] =	vst v63  }
0x2e: {  	_ =	swait.ge [sflag:s21], $0x4000  }
0x2f: {  	[sflag:s21] =	ssyncset.done $0x0  }
0x30: {  	s11 =	rddreg [dreg:$0x6];
	[sflag:s21] =	ssyncadd.s32 $0xFFFFC000  }
0x31: {  	[spmem:s11] =	stream.linear.scatter [tilespmem:s20], [sflag:$0x3], $0x4000, $0x38;
	[tilespmem:$0x1E800] =	vst v63  }
0x32: {  	_ =	swait.ge [sflag:s21], $0x4000  }
0x33: {  	[sflag:s21] =	ssyncset.done $0x0  }
0x34: {  	s8 =	rddreg [dreg:$0x7];
	[sflag:s21] =	ssyncadd.s32 $0xFFFFC000  }
0x35: {  	[spmem:s8] =	stream.linear.scatter [tilespmem:s20], [sflag:$0x3], $0x4000, $0x38;
	[tilespmem:$0x1E800] =	vst v63  }
0x36: {  	_ =	swait.ge [sflag:s21], $0x4000  }
0x37: {  	[sflag:s21] =	ssyncset.done $0x0  }
0x38: {  	s9 =	rddreg [dreg:$0x8];
	[sflag:s21] =	ssyncadd.s32 $0xFFFFC000  }
0x39: {  	[spmem:s9] =	stream.linear.scatter [tilespmem:s20], [sflag:$0x3], $0x4000, $0x38;
	[tilespmem:$0x1E800] =	vst v63  }
0x3a: {  	_ =	swait.ge [sflag:s21], $0x4000  }
0x3b: {  	[sflag:s21] =	ssyncset.done $0x0  }
0x3c: {  	s10 =	rddreg [dreg:$0x9];
	[sflag:s21] =	ssyncadd.s32 $0xFFFFC000  }
0x3d: {  	[spmem:s10] =	stream.linear.scatter [tilespmem:s20], [sflag:$0x3], $0x4000, $0x38;
	[tilespmem:$0x1E800] =	vst v63  }
0x3e: {  	_ =	swait.ge [sflag:s21], $0x4000  }
0x3f: {  	[sflag:s21] =	ssyncset.done $0x0  }
0x40: {  	[sflag:s21] =	ssyncadd.s32 $0xFFFFC000  }
0x41: {  	s11 =	simm.s32 $0x0;
	[bflag:$0x0] =	sbarrier.arrive $0xFFFF  }
0x42: {  	[tilespmem:s11], [sflag:$0x3] =	stream.linear.gather [hbm4b:s16+s11], $0x1400, $0x38;
	[tilespmem:$0x1E800] =	vst v63  }
0x43: {  	_ =	swait.ge [sflag:s21], $0x1400  }
0x44: {  	[sflag:s21] =	ssyncset.done $0x0  }
0x45: {  	[sflag:s21] =	ssyncadd.s32 $0xFFFFEC00  }
0x46: {  	[tilespmem:s26], [sflag:$0x3] =	stream.linear.gather [hbm4b:s17+s11], $0x1400, $0x38;
	[tilespmem:$0x1E800] =	vst v63  }
0x47: {  	_ =	swait.ge [sflag:s21], $0x1400  }
0x48: {  	[sflag:s21] =	ssyncset.done $0x0  }
0x49: {  	[sflag:s21] =	ssyncadd.s32 $0xFFFFEC00  }
0x4a: {  	[tilespmem:s20], [sflag:$0x1] =	stream.indirect.gather [hbm4b:s4+s28], $0x80, s11, s28, $0xb8;
	[tilespmem:$0x1E800] =	vst v63  }
0x4b: {  	s8 =	simm.s32 $0x80  }
0x4c: {  	[tilespmem:s29], [sflag:$0x2] =	stream.indirect.gather [hbm4b:s4+s28], $0x80, s8, s28, $0xb8;
	[tilespmem:$0x1E800] =	vst v63  }
0x4d: {  	_ =	swait.ge [sflag:s30], $0x4000  }
0x4e: {  	[sflag:s30] =	ssyncset.done $0x0  }
0x4f: {  	s9 =	simm.s32 $0x1400;
	[sflag:s30] =	ssyncadd.s32 $0xFFFFC000  }
0x50: {  	[spmem:s1] =	stream.indirect.scatter.add.f32 [tilespmem:s20], [sflag:$0x3], $0x80, s9, s28, $0xb8;
	[tilespmem:$0x1E800] =	vst v63  }
0x51: {  	_ =	swait.ge [sflag:s21], $0x4000  }
0x52: {  	[sflag:s21] =	ssyncset.done $0x0  }
0x53: {  	s10 =	simm.s32 $0x100;
	[sflag:s21] =	ssyncadd.s32 $0xFFFFC000  }
0x54: {  	[tilespmem:s20], [sflag:$0x1] =	stream.indirect.gather [hbm4b:s4+s28], $0x80, s10, s28, $0xb8;
	[tilespmem:$0x1E800] =	vst v63  }
0x55: {  	_ =	swait.ge [sflag:s31], $0x4000  }
0x56: {  	[sflag:s31] =	ssyncset.done $0x0  }
0x57: {  	s11 =	simm.s32 $0x1480;
	[sflag:s31] =	ssyncadd.s32 $0xFFFFC000  }
0x58: {  	[spmem:s1] =	stream.indirect.scatter.add.f32 [tilespmem:s29], [sflag:$0x3], $0x80, s11, s28, $0xb8;
	[tilespmem:$0x1E800] =	vst v63  }
0x59: {  	_ =	swait.ge [sflag:s21], $0x4000  }
0x5a: {  	s7 =	simm.s32 $0x100;
	s8 =	simm.s32 $0x800;
	[sflag:s21] =	ssyncset.done $0x0  }
.LBB2_4:
0x5b: {  	s9 =	sadd.s32 $0x80, s7  }
0x5c: {  	[sflag:s21] =	ssyncadd.s32 $0xFFFFC000;
	s10 =	smov.u32 s8;
	s11 =	sadd.s32 $0x400, s8  }
0x5d: {  	[tilespmem:s29], [sflag:$0x2] =	stream.indirect.gather [hbm4b:s4+s28], $0x80, s9, s28, $0xb8;
	[tilespmem:$0x1E800] =	vst v63  }
0x5e: {  	p0 =	sne.s32 s8, $0x4800;
	_ =	swait.ge [sflag:s30], $0x4000  }
0x5f: {  	[sflag:s30] =	ssyncset.done $0x0  }
0x60: {  	s8 =	sadd.s32 $0x1400, s7;
	[sflag:s30] =	ssyncadd.s32 $0xFFFFC000  }
0x61: {  	[spmem:s1] =	stream.indirect.scatter.add.f32 [tilespmem:s20], [sflag:$0x3], $0x80, s8, s28, $0xb8;
	[tilespmem:$0x1E800] =	vst v63  }
0x62: {  	_ =	swait.ge [sflag:s21], $0x4000  }
0x63: {  	[sflag:s21] =	ssyncset.done $0x0  }
0x64: {  	s8 =	sadd.s32 $0x100, s7;
	[sflag:s21] =	ssyncadd.s32 $0xFFFFC000  }
0x65: {  	[tilespmem:s20], [sflag:$0x1] =	stream.indirect.gather [hbm4b:s4+s28], $0x80, s8, s28, $0xb8;
	[tilespmem:$0x1E800] =	vst v63  }
0x66: {  	_ =	swait.ge [sflag:s31], $0x4000  }
.Ltmp1:
0x67: {  	[sflag:s31] =	ssyncset.done $0x0;
	(pc) =	sbr.rel @p0 .LBB2_4-.Ltmp1, $4  }
0x68: {  	s7 =	sadd.s32 $0x1480, s7;
	[sflag:s31] =	ssyncadd.s32 $0xFFFFC000  }
0x69: {  	[spmem:s1] =	stream.indirect.scatter.add.f32 [tilespmem:s29], [sflag:$0x3], $0x80, s7, s28, $0xb8;
	[tilespmem:$0x1E800] =	vst v63  }
0x6a: {  	_ =	swait.ge [sflag:s21], $0x4000  }
0x6b: {  	s8 =	smov.u32 s11;
	s7 =	sshra.s32 s10, $0x2;
	[sflag:s21] =	ssyncset.done $0x0  }
0x6c: {  	s8 =	sadd.s32 $0x80, s7;
	[sflag:s21] =	ssyncadd.s32 $0xFFFFC000  }
0x6d: {  	[tilespmem:s29], [sflag:$0x2] =	stream.indirect.gather [hbm4b:s4+s28], $0x80, s8, s28, $0xb8;
	[tilespmem:$0x1E800] =	vst v63  }
0x6e: {  	_ =	swait.ge [sflag:s30], $0x4000  }
0x6f: {  	[sflag:s30] =	ssyncset.done $0x0  }
0x70: {  	s11 =	sadd.s32 $0x1400, s7;
	[sflag:s30] =	ssyncadd.s32 $0xFFFFC000  }
0x71: {  	[spmem:s1] =	stream.indirect.scatter.add.f32 [tilespmem:s20], [sflag:$0x3], $0x80, s11, s28, $0xb8;
	[tilespmem:$0x1E800] =	vst v63  }
0x72: {  	_ =	swait.ge [sflag:s21], $0x4000  }
0x73: {  	[sflag:s21] =	ssyncset.done $0x0  }
0x74: {  	s9 =	sadd.s32 $0x100, s7;
	[sflag:s21] =	ssyncadd.s32 $0xFFFFC000  }
0x75: {  	[tilespmem:s20], [sflag:$0x1] =	stream.indirect.gather [hbm4b:s4+s28], $0x80, s9, s28, $0xb8;
	[tilespmem:$0x1E800] =	vst v63  }
0x76: {  	_ =	swait.ge [sflag:s31], $0x4000  }
0x77: {  	[sflag:s31] =	ssyncset.done $0x0  }
0x78: {  	s10 =	sadd.s32 $0x1480, s7;
	[sflag:s31] =	ssyncadd.s32 $0xFFFFC000  }
0x79: {  	[spmem:s1] =	stream.indirect.scatter.add.f32 [tilespmem:s29], [sflag:$0x3], $0x80, s10, s28, $0xb8;
	[tilespmem:$0x1E800] =	vst v63  }
0x7a: {  	_ =	swait.ge [sflag:s21], $0x4000  }
0x7b: {  	[sflag:s21] =	ssyncset.done $0x0  }
0x7c: {  	[sflag:s21] =	ssyncadd.s32 $0xFFFFC000  }
0x7d: {  	[tilespmem:s29], [sflag:$0x2] =	stream.indirect.gather [hbm4b:s4+s28], $0x80, s0, s28, $0xb8;
	[tilespmem:$0x1E800] =	vst v63  }
0x7e: {  	_ =	swait.ge [sflag:s30], $0x4000  }
0x7f: {  	[sflag:s30] =	ssyncset.done $0x0  }
0x80: {  	[sflag:s30] =	ssyncadd.s32 $0xFFFFC000  }
0x81: {  	[spmem:s1] =	stream.indirect.scatter.add.f32 [tilespmem:s20], [sflag:$0x3], $0x80, s3, s28, $0xb8;
	[tilespmem:$0x1E800] =	vst v63  }
0x82: {  	_ =	swait.ge [sflag:s21], $0x4000  }
0x83: {  	[sflag:s21] =	ssyncset.done $0x0  }
0x84: {  	[sflag:s21] =	ssyncadd.s32 $0xFFFFC000  }
0x85: {  	_ =	swait.ge [sflag:s31], $0x4000  }
0x86: {  	[sflag:s31] =	ssyncset.done $0x0  }
0x87: {  	[sflag:s31] =	ssyncadd.s32 $0xFFFFC000  }
0x88: {  	[spmem:s1] =	stream.indirect.scatter.add.f32 [tilespmem:s29], [sflag:$0x3], $0x80, s6, s28, $0xb8;
	[tilespmem:$0x1E800] =	vst v63  }
0x89: {  	_ =	swait.ge [sflag:s21], $0x4000  }
0x8a: {  	[sflag:s21] =	ssyncset.done $0x0  }
0x8b: {  	s11 =	simm.s32 $0x0;
	[sflag:s21] =	ssyncadd.s32 $0xFFFFC000  }
0x8c: {  	[tilespmem:s11], [sflag:$0x3] =	stream.linear.gather [hbm4b:s18+s11], $0x1400, $0x38;
	[tilespmem:$0x1E800] =	vst v63  }
0x8d: {  	_ =	swait.ge [sflag:s21], $0x1400  }
0x8e: {  	[sflag:s21] =	ssyncset.done $0x0  }
0x8f: {  	[sflag:s21] =	ssyncadd.s32 $0xFFFFEC00  }
0x90: {  	[tilespmem:s26], [sflag:$0x3] =	stream.linear.gather [hbm4b:s19+s11], $0x1400, $0x38;
	[tilespmem:$0x1E800] =	vst v63  }
0x91: {  	_ =	swait.ge [sflag:s21], $0x1400  }
0x92: {  	[sflag:s21] =	ssyncset.done $0x0  }
0x93: {  	[sflag:s21] =	ssyncadd.s32 $0xFFFFEC00  }
0x94: {  	[tilespmem:s20], [sflag:$0x1] =	stream.indirect.gather [hbm4b:s4+s28], $0x80, s11, s28, $0xb8;
	[tilespmem:$0x1E800] =	vst v63  }
0x95: {  	s8 =	simm.s32 $0x80  }
0x96: {  	[tilespmem:s29], [sflag:$0x2] =	stream.indirect.gather [hbm4b:s4+s28], $0x80, s8, s28, $0xb8;
	[tilespmem:$0x1E800] =	vst v63  }
0x97: {  	_ =	swait.ge [sflag:s30], $0x4000  }
0x98: {  	[sflag:s30] =	ssyncset.done $0x0  }
0x99: {  	s9 =	simm.s32 $0x1400;
	[sflag:s30] =	ssyncadd.s32 $0xFFFFC000  }
0x9a: {  	[spmem:s1] =	stream.indirect.scatter.add.f32 [tilespmem:s20], [sflag:$0x3], $0x80, s9, s28, $0xb8;
	[tilespmem:$0x1E800] =	vst v63  }
0x9b: {  	_ =	swait.ge [sflag:s21], $0x4000  }
0x9c: {  	[sflag:s21] =	ssyncset.done $0x0  }
0x9d: {  	s10 =	simm.s32 $0x100;
	[sflag:s21] =	ssyncadd.s32 $0xFFFFC000  }
0x9e: {  	[tilespmem:s20], [sflag:$0x1] =	stream.indirect.gather [hbm4b:s4+s28], $0x80, s10, s28, $0xb8;
	[tilespmem:$0x1E800] =	vst v63  }
0x9f: {  	_ =	swait.ge [sflag:s31], $0x4000  }
0xa0: {  	[sflag:s31] =	ssyncset.done $0x0  }
0xa1: {  	s11 =	simm.s32 $0x1480;
	[sflag:s31] =	ssyncadd.s32 $0xFFFFC000  }
0xa2: {  	[spmem:s1] =	stream.indirect.scatter.add.f32 [tilespmem:s29], [sflag:$0x3], $0x80, s11, s28, $0xb8;
	[tilespmem:$0x1E800] =	vst v63  }
0xa3: {  	_ =	swait.ge [sflag:s21], $0x4000  }
0xa4: {  	s7 =	simm.s32 $0x100;
	s8 =	simm.s32 $0x800;
	[sflag:s21] =	ssyncset.done $0x0  }
.LBB2_6:
0xa5: {  	s9 =	sadd.s32 $0x80, s7  }
0xa6: {  	[sflag:s21] =	ssyncadd.s32 $0xFFFFC000;
	s10 =	smov.u32 s8;
	s11 =	sadd.s32 $0x400, s8  }
0xa7: {  	[tilespmem:s29], [sflag:$0x2] =	stream.indirect.gather [hbm4b:s4+s28], $0x80, s9, s28, $0xb8;
	[tilespmem:$0x1E800] =	vst v63  }
0xa8: {  	p0 =	sne.s32 s8, $0x4800;
	_ =	swait.ge [sflag:s30], $0x4000  }
0xa9: {  	[sflag:s30] =	ssyncset.done $0x0  }
0xaa: {  	s8 =	sadd.s32 $0x1400, s7;
	[sflag:s30] =	ssyncadd.s32 $0xFFFFC000  }
0xab: {  	[spmem:s1] =	stream.indirect.scatter.add.f32 [tilespmem:s20], [sflag:$0x3], $0x80, s8, s28, $0xb8;
	[tilespmem:$0x1E800] =	vst v63  }
0xac: {  	_ =	swait.ge [sflag:s21], $0x4000  }
0xad: {  	[sflag:s21] =	ssyncset.done $0x0  }
0xae: {  	s8 =	sadd.s32 $0x100, s7;
	[sflag:s21] =	ssyncadd.s32 $0xFFFFC000  }
0xaf: {  	[tilespmem:s20], [sflag:$0x1] =	stream.indirect.gather [hbm4b:s4+s28], $0x80, s8, s28, $0xb8;
	[tilespmem:$0x1E800] =	vst v63  }
0xb0: {  	_ =	swait.ge [sflag:s31], $0x4000  }
.Ltmp2:
0xb1: {  	[sflag:s31] =	ssyncset.done $0x0;
	(pc) =	sbr.rel @p0 .LBB2_6-.Ltmp2, $4  }
0xb2: {  	s7 =	sadd.s32 $0x1480, s7;
	[sflag:s31] =	ssyncadd.s32 $0xFFFFC000  }
0xb3: {  	[spmem:s1] =	stream.indirect.scatter.add.f32 [tilespmem:s29], [sflag:$0x3], $0x80, s7, s28, $0xb8;
	[tilespmem:$0x1E800] =	vst v63  }
0xb4: {  	_ =	swait.ge [sflag:s21], $0x4000  }
0xb5: {  	s8 =	smov.u32 s11;
	s7 =	sshra.s32 s10, $0x2;
	[sflag:s21] =	ssyncset.done $0x0  }
0xb6: {  	s8 =	sadd.s32 $0x80, s7;
	[sflag:s21] =	ssyncadd.s32 $0xFFFFC000  }
0xb7: {  	[tilespmem:s29], [sflag:$0x2] =	stream.indirect.gather [hbm4b:s4+s28], $0x80, s8, s28, $0xb8;
	[tilespmem:$0x1E800] =	vst v63  }
0xb8: {  	_ =	swait.ge [sflag:s30], $0x4000  }
0xb9: {  	[sflag:s30] =	ssyncset.done $0x0  }
0xba: {  	s10 =	sadd.s32 $0x1400, s7;
	[sflag:s30] =	ssyncadd.s32 $0xFFFFC000  }
0xbb: {  	[spmem:s1] =	stream.indirect.scatter.add.f32 [tilespmem:s20], [sflag:$0x3], $0x80, s10, s28, $0xb8;
	[tilespmem:$0x1E800] =	vst v63  }
0xbc: {  	_ =	swait.ge [sflag:s21], $0x4000  }
0xbd: {  	[sflag:s21] =	ssyncset.done $0x0  }
0xbe: {  	s11 =	sadd.s32 $0x100, s7;
	[sflag:s21] =	ssyncadd.s32 $0xFFFFC000  }
0xbf: {  	[tilespmem:s20], [sflag:$0x1] =	stream.indirect.gather [hbm4b:s4+s28], $0x80, s11, s28, $0xb8;
	[tilespmem:$0x1E800] =	vst v63  }
0xc0: {  	_ =	swait.ge [sflag:s31], $0x4000  }
0xc1: {  	[sflag:s31] =	ssyncset.done $0x0  }
0xc2: {  	s8 =	sadd.s32 $0x1480, s7;
	[sflag:s31] =	ssyncadd.s32 $0xFFFFC000  }
0xc3: {  	[spmem:s1] =	stream.indirect.scatter.add.f32 [tilespmem:s29], [sflag:$0x3], $0x80, s8, s28, $0xb8;
	[tilespmem:$0x1E800] =	vst v63  }
0xc4: {  	_ =	swait.ge [sflag:s21], $0x4000  }
0xc5: {  	[sflag:s21] =	ssyncset.done $0x0  }
0xc6: {  	[sflag:s21] =	ssyncadd.s32 $0xFFFFC000  }
0xc7: {  	[tilespmem:s29], [sflag:$0x2] =	stream.indirect.gather [hbm4b:s4+s28], $0x80, s0, s28, $0xb8;
	[tilespmem:$0x1E800] =	vst v63  }
0xc8: {  	_ =	swait.ge [sflag:s30], $0x4000  }
0xc9: {  	[sflag:s30] =	ssyncset.done $0x0  }
0xca: {  	[sflag:s30] =	ssyncadd.s32 $0xFFFFC000  }
0xcb: {  	[spmem:s1] =	stream.indirect.scatter.add.f32 [tilespmem:s20], [sflag:$0x3], $0x80, s3, s28, $0xb8;
	[tilespmem:$0x1E800] =	vst v63  }
0xcc: {  	_ =	swait.ge [sflag:s21], $0x4000  }
0xcd: {  	[sflag:s21] =	ssyncset.done $0x0  }
0xce: {  	[sflag:s21] =	ssyncadd.s32 $0xFFFFC000  }
0xcf: {  	_ =	swait.ge [sflag:s31], $0x4000  }
0xd0: {  	[sflag:s31] =	ssyncset.done $0x0  }
0xd1: {  	[sflag:s31] =	ssyncadd.s32 $0xFFFFC000  }
0xd2: {  	[spmem:s1] =	stream.indirect.scatter.add.f32 [tilespmem:s29], [sflag:$0x3], $0x80, s6, s28, $0xb8;
	[tilespmem:$0x1E800] =	vst v63  }
0xd3: {  	_ =	swait.ge [sflag:s21], $0x4000  }
0xd4: {  	[sflag:s21] =	ssyncset.done $0x0  }
0xd5: {  	s9 =	stileid.u32;
	[sflag:s21] =	ssyncadd.s32 $0xFFFFC000  }
0xd6: {  	s7 =	sshll.u32 s9, $0x6;
	[bflag:$0x0] =	sbarrier.arrive $0xFFFF  }
0xd7: {  	s7 =	sor.u32 $0x1C03, s7;
	s10 =	sshrl.u32 s5, $0x3;
	s9 =	rddreg [dreg:$0x4]  }
0xd8: {  	[hbm:s9], [sflag:s7] =	dma.local [spmem:s10], $0x800  }
0xd9: {  	_ =	swait.ge [sflag:s21], $0x800  }
0xda: {  	[sflag:s21] =	ssyncset.done $0x0  }
0xdb: {  	[sflag:s21] =	ssyncadd.s32 $0xFFFFF800  }
0xdc: {  	[hbm:s12], [sflag:s7] =	dma.local [spmem:s22], $0x800  }
0xdd: {  	_ =	swait.ge [sflag:s21], $0x800  }
0xde: {  	[sflag:s21] =	ssyncset.done $0x0  }
0xdf: {  	[sflag:s21] =	ssyncadd.s32 $0xFFFFF800  }
0xe0: {  	[hbm:s13], [sflag:s7] =	dma.local [spmem:s23], $0x800  }
0xe1: {  	_ =	swait.ge [sflag:s21], $0x800  }
0xe2: {  	[sflag:s21] =	ssyncset.done $0x0  }
0xe3: {  	[sflag:s21] =	ssyncadd.s32 $0xFFFFF800  }
0xe4: {  	[hbm:s14], [sflag:s7] =	dma.local [spmem:s24], $0x800  }
0xe5: {  	_ =	swait.ge [sflag:s21], $0x800  }
0xe6: {  	[sflag:s21] =	ssyncset.done $0x0  }
0xe7: {  	[sflag:s21] =	ssyncadd.s32 $0xFFFFF800  }
0xe8: {  	[hbm:s15], [sflag:s7] =	dma.local [spmem:s25], $0x800  }
0xe9: {  	_ =	swait.ge [sflag:s21], $0x800  }
0xea: {  	s2 =	sadd.s32 $0x1, s2;
	s11 =	rddreg [dreg:$0x5]  }
0xeb: {  	p0 =	sne.s32 s2, s11  }
.Ltmp3:
0xec: {  	_ = 	snop;
	(pc) =	sbr.rel @p0 .LBB2_1-.Ltmp3, $3  }
0xed: {  	_ =	sdelay $0x1  }
0xee: {  	[sflag:s21] =	ssyncset.done $0x0  }
0xef: {  	[sflag:s21] =	ssyncadd.s32 $0xFFFFF800  }
0xf0: {  	_ =	sfence.sel $0x180000  }
0xf1: {  	[bflag:$0x0] =	sbarrier.arrive $0xFFFF  }
0xf2: {  	_ =	strace $0x9000004D  }
0xf3: {  	s0 =	stileid.u32;
	[bflag:$0x2] =	sbarrier.arrive $0xFFFF  }
0xf4: {  	p0 =	sne.s32 s0, $0x0;
	s0 =	rddreg [dreg:$0x3]  }
0xf5: {  	s0 =	sadd.s32 @!p0 $0x100000, s0  }
0xf6: {  	[sflag:s0] =	ssyncadd.tile.s32 @!p0 $0x1;
	_ =	shalt  }
.Lfunc_end2:
_tile_overlayer_lowered:
.L_overlay_start_2:
0xf7: {  	(tag) =	ssettag $0x2  }
0xf8: {  	s0 =	rddreg [dreg:$0x0];
	s2 =	stileid.u32  }
0xf9: {  	s1 =	rddreg [dreg:$0x1];
	p0 =	sne.s32 s2, $0x0  }
0xfa: {  	s3 =	rddreg [dreg:$0x2];
	[bflag:$0x3] =	sbarrier.arrive $0xFFFF;
	s2 =	simm.s32 @!p0 $0x1C03  }
0xfb: {  	[timem:s3], [sflag:s2] =	dma.local @!p0 [hbm:s0], s1  }
0xfc: {  	s0 =	simm.s32 @!p0 $0x3  }
0xfd: {  	_ =	swait.ge @!p0 [sflag:s0], s1  }
0xfe: {  	s1 =	ssub.s32 @!p0 $0x0, s1;
	[sflag:s0] =	ssyncset.done @!p0 $0x0  }
0xff: {  	[sflag:s0] =	ssyncadd.s32 @!p0 s1  }
0x100: {  	[bflag:$0x3] =	sbarrier.arrive $0xFFFF  }
0x101: {  	_ =	shalt  }

// kernel: kernel.8.cloned.1.call-start
scs
__scs_entry_jumppad:
0x0: {  	(pc) =	sbr.rel $0x88, $3  }
0x1: {  	(tag) =	ssettag $0x0;
	lr =	simm.s32 $0x1  }
0x2: {  	[smem:$0x3F9B] =	sst lr;
	_ =	strace $0xD0000000  }
0x3: {  	_ = 	snop  }
0x4: {  	_ = 	snop  }
0x5: {  	_ = 	snop  }
0x6: {  	_ = 	snop  }
0x7: {  	_ = 	snop  }
__scs_overlays_trampoline_lowered:
0x8: {  	[smem:$0x3FAA] =	sst s0  }
0x9: {  	[smem:$0x3FAB] =	sst s1  }
0xa: {  	[smem:$0x3FAC] =	sst s2  }
0xb: {  	[smem:$0x3FAD] =	sst s3  }
0xc: {  	[smem:$0x3FAE] =	sst s4  }
0xd: {  	[smem:$0x3FAF] =	sst s5  }
0xe: {  	[smem:$0x3FB0] =	sst s6  }
0xf: {  	[smem:$0x3FB1] =	sst s7  }
0x10: {  	[smem:$0x3FB2] =	sst s8  }
0x11: {  	[smem:$0x3FB3] =	sst s9;
	s0 =	simm.s32 @!p0 $0x0  }
0x12: {  	s1 =	sld [smem:$0x3F99];
	s0 =	simm.s32 @p0 $0x1  }
0x13: {  	[smem:$0x3FB4] =	sst s0;
	s0 =	simm.s32 @!p1 $0x0  }
0x14: {  	s2 =	sld [smem:$0x3F98];
	s0 =	simm.s32 @p1 $0x1  }
0x15: {  	[smem:$0x3FB5] =	sst s0;
	s0 =	simm.s32 @!p2 $0x0  }
0x16: {  	s3 =	sld [smem:$0x3FDB];
	s0 =	simm.s32 @p2 $0x1  }
0x17: {  	s4 =	simm.s32 $0x1BF5;
	[smem:$0x3FB7] =	sst s0  }
0x18: {  	s0 =	sld [smem:$0x3F9A];
	_ =	swait.ge [sflag:s4], $0x0  }
0x19: {  	s7 =	sld [smem:$0x3F9B]  }
0x1a: {  	s8 =	sadd.s32 $0xFFFFE003, lr  }
0x1b: {  	s9 =	sadd.s32 $0xFFFFFEF7, lr;
	s5 =	simm.s32 $0xFFFFFFFF;
	p2 =	slt.u32 s8, $0xFFFFF086  }
0x1c: {  	p1 =	slt.u32 s9, $0xF7A;
	s5 =	simm.s32 @!p2 $0x0  }
0x1d: {  	s5 =	simm.s32 @p1 $0x1;
	p0 =	seq.s32 s7, s2  }
0x1e: {  	s7 =	smul.u32 @!p0 $0xF7A, s2;
	p2 =	seq.s32 @!p0 s5, $0x0  }
0x1f: {  	s9 =	smul.u32 $0xF7A, s1;
	s8 =	simm.s32 @!p0 $0x1BF5;
	p2 =	por !p2, p0  }
0x20: {  	[sflag:s8] =	ssyncset.s32 @!p0 $0xFFFFF086;
	s6 =	sadd.s32 @!p0 s3, s7;
	s7 =	simm.s32 @!p0 $0x108  }
0x21: {  	s3 =	sadd.s32 s3, s9;
	s6 =	sadd.s32 @!p0 $0x88, s6;
	s7 =	simm.s32 @p2 $0x1082  }
0x22: {  	[simem:s7], [sflag:s8] =	dma.local @!p0 [hbm:s6], $0xF7A  }
0x23: {  	s9 =	sor.u32 $0xD0000000, s2;
	s6 =	simm.s32 $0x108;
	_ =	swait.ge @!p0 [sflag:s8], $0x0  }
0x24: {  	s3 =	sadd.s32 $0x88, s3;
	s6 =	simm.s32 @!p1 $0x1082;
	[sflag:s4] =	ssyncset.s32 $0xFFFFF086  }
0x25: {  	[simem:s6], [sflag:s4] =	dma.local [hbm:s3], $0xF7A  }
0x26: {  	[smem:$0x3F9B] =	sst s1;
	(tag) =	ssettag s2;
	_ =	strace s9  }
0x27: {  	s1 =	sld [smem:$0x3FAB]  }
0x28: {  	s2 =	sld [smem:$0x3FAC]  }
0x29: {  	s4 =	sld [smem:$0x3FAE]  }
0x2a: {  	p0 =	seq.s32 s5, $0x0;
	s5 =	sld [smem:$0x3FAF]  }
0x2b: {  	s6 =	sld [smem:$0x3FB0]  }
0x2c: {  	s7 =	sld [smem:$0x3FB1]  }
0x2d: {  	s3 =	simm.s32 $0x108;
	s8 =	sld [smem:$0x3FB2]  }
0x2e: {  	s3 =	simm.s32 @!p0 $0x1082;
	s9 =	sld [smem:$0x3FB3]  }
0x2f: {  	lr =	sadd.s32 s0, s3;
	s0 =	sld [smem:$0x3FAA]  }
0x30: {  	s3 =	sld [smem:$0x3FAD]  }
0x31: {  	[smem:$0x3FB6] =	sst s10  }
0x32: {  	s10 =	sld [smem:$0x3FB4];
	_ =	sdelay $0x3  }
0x33: {  	p0 =	seq.s32 s10, $0x1;
	s10 =	sld [smem:$0x3FB6];
	_ =	sdelay $0x3  }
0x34: {  	[smem:$0x3FB6] =	sst s10  }
0x35: {  	s10 =	sld [smem:$0x3FB5];
	_ =	sdelay $0x3  }
0x36: {  	p1 =	seq.s32 s10, $0x1;
	s10 =	sld [smem:$0x3FB6];
	_ =	sdelay $0x3  }
0x37: {  	[smem:$0x3FB6] =	sst s10  }
0x38: {  	s10 =	sld [smem:$0x3FB7]  }
0x39: {  	_ = 	snop;
	(pc) =	sbr.ind lr, $3  }
0x3a: {  	_ = 	snop  }
0x3b: {  	_ = 	snop  }
0x3c: {  	p2 =	seq.s32 s10, $0x1;
	s10 =	sld [smem:$0x3FB6]  }
0x3d: {  	_ =	shalt  }
0x3e: {  	_ =	shalt  }
0x3f: {  	_ =	shalt  }
0x40: {  	_ =	shalt  }
0x41: {  	_ =	shalt  }
0x42: {  	_ =	shalt  }
0x43: {  	_ =	shalt  }
0x44: {  	_ =	shalt  }
0x45: {  	_ =	shalt  }
0x46: {  	_ =	shalt  }
0x47: {  	_ =	shalt  }
0x48: {  	_ =	shalt  }
0x49: {  	_ =	shalt  }
0x4a: {  	_ =	shalt  }
0x4b: {  	_ =	shalt  }
0x4c: {  	_ =	shalt  }
0x4d: {  	_ =	shalt  }
0x4e: {  	_ =	shalt  }
0x4f: {  	_ =	shalt  }
0x50: {  	_ =	shalt  }
0x51: {  	_ =	shalt  }
0x52: {  	_ =	shalt  }
0x53: {  	_ =	shalt  }
0x54: {  	_ =	shalt  }
0x55: {  	_ =	shalt  }
0x56: {  	_ =	shalt  }
0x57: {  	_ =	shalt  }
0x58: {  	_ =	shalt  }
0x59: {  	_ =	shalt  }
0x5a: {  	_ =	shalt  }
0x5b: {  	_ =	shalt  }
0x5c: {  	_ =	shalt  }
0x5d: {  	_ =	shalt  }
0x5e: {  	_ =	shalt  }
0x5f: {  	_ =	shalt  }
0x60: {  	_ =	shalt  }
0x61: {  	_ =	shalt  }
0x62: {  	_ =	shalt  }
0x63: {  	_ =	shalt  }
0x64: {  	_ =	shalt  }
0x65: {  	_ =	shalt  }
0x66: {  	_ =	shalt  }
0x67: {  	_ =	shalt  }
0x68: {  	_ =	shalt  }
0x69: {  	_ =	shalt  }
0x6a: {  	_ =	shalt  }
0x6b: {  	_ =	shalt  }
0x6c: {  	_ =	shalt  }
0x6d: {  	_ =	shalt  }
0x6e: {  	_ =	shalt  }
0x6f: {  	_ =	shalt  }
0x70: {  	_ =	shalt  }
0x71: {  	_ =	shalt  }
0x72: {  	_ =	shalt  }
0x73: {  	_ =	shalt  }
0x74: {  	_ =	shalt  }
0x75: {  	_ =	shalt  }
0x76: {  	_ =	shalt  }
0x77: {  	_ =	shalt  }
0x78: {  	_ =	shalt  }
0x79: {  	_ =	shalt  }
0x7a: {  	_ =	shalt  }
0x7b: {  	_ =	shalt  }
0x7c: {  	_ =	shalt  }
0x7d: {  	_ =	shalt  }
0x7e: {  	_ =	shalt  }
0x7f: {  	_ =	shalt  }
0x80: {  	_ =	shalt  }
0x81: {  	_ =	shalt  }
0x82: {  	_ =	shalt  }
0x83: {  	_ =	shalt  }
0x84: {  	_ =	shalt  }
0x85: {  	_ =	shalt  }
0x86: {  	_ =	shalt  }
0x87: {  	_ =	shalt  }
.Lfunc_end0:
.L_simem_size_0:
called_computation_lowered:
.L_overlay_start_0:
0x88: {  	s2 =	sld [smem:$0x3FD9]  }
0x89: {  	s3 =	sld [smem:$0x3FFE];
	_ =	sdelay $0x1  }
0x8a: {  	s1 =	srdreg.scid  }
0x8b: {  	s0 =	sand.u32 $0x1, s1  }
0x8c: {  	s16 =	sshll.u32 s0, $0xA;
	s2 =	sadd.s32 s3, s2  }
0x8d: {  	s2 =	sadd.s32 s2, s16  }
0x8e: {  	[smem:$0x3FC2] =	sst s2  }
0x8f: {  	_ = 	snop  }
0x90: {  	(tm) =	ssettm $0x1  }
0x91: {  	s17 =	sld [smem:$0x3FFB];
	_ =	sdelay $0x3  }
0x92: {  	_ =	strace s17  }
0x93: {  	s2 =	sld [smem:$0x3FFC];
	_ =	sdelay $0x3  }
0x94: {  	_ =	strace s2  }
0x95: {  	s2 =	sld [smem:$0x3FFD];
	_ =	sdelay $0x3  }
0x96: {  	_ =	strace s2  }
0x97: {  	_ =	strace $0x8FFFFFFF  }
0x98: {  	s18 =	sld [smem:$0x3FDB];
	_ =	sdelay $0x1  }
0x99: {  	s19 =	simm.s32 $_scs_section_size  }
0x9a: {  	s4 =	simm.s32 $_size__tile_overlayer_lowered;
	s5 =	simm.s32 $_tile_overlayer_lowered  }
0x9b: {  	s22 =	simm.s32 $0x1BFF;
	s21 =	sshll.u32 s5, $0x1;
	s2 =	sadd.s32 s19, s18  }
0x9c: {  	s6 =	simm.s32 $0x0;
	s20 =	sshll.u32 s4, $0x1;
	s4 =	sadd.s32 s21, s2  }
0x9d: {  	[timem:s6], [sflag:s22] =	dma.local [hbm:s4], s20  }
0x9e: {  	_ =	swait.ge [sflag:s22], s20  }
0x9f: {  	s3 =	ssub.s32 $0x0, s20;
	[sflag:s22] =	ssyncset.done $0x0  }
0xa0: {  	[sflag:s22] =	ssyncadd.s32 s3;
	_ =	sdelay $0x1  }
0xa1: {  	s23 =	simm.s32 $0x1B8B  }
0xa2: {  	_ =	swait.ge [sflag:s23], $0x1  }
0xa3: {  	[sflag:s23] =	ssyncset.done $0x0  }
0xa4: {  	s25 =	simm.s32 $0x1B8E;
	s24 =	sld [smem:$0x3FFE];
	[sflag:s23] =	ssyncadd.s32 $0xFFFFFFFF  }
0xa5: {  	s26 =	simm.s32 $execute0_lowered;
	[smem:$0x3FD2] =	sst s25  }
0xa6: {  	s4 =	sshll.u32 s26, $0x1;
	_ =	strace $0x80000046;
	[dreg:$0x1] =	wrdreg $0xFFFFFFFF  }
0xa7: {  	s28 =	simm.s32 $_size_execute0_lowered;
	s2 =	sadd.s32 s2, s4;
	[dreg:$0x0] =	wrdreg $0x0  }
0xa8: {  	s4 =	sshll.u32 s28, $0x1;
	[dreg:$0x2] =	wrdreg s2  }
0xa9: {  	[dreg:$0x3] =	wrdreg s4  }
0xaa: {  	[dreg:$0x4] =	wrdreg $0xC0  }
0xab: {  	_ =	task [dreg:s6], $0x5FFFF  }
0xac: {  	[dreg:$0x1] =	wrdreg $0xFFFFFFFF  }
0xad: {  	[dreg:$0x0] =	wrdreg $0x60  }
0xae: {  	[dreg:$0x2] =	wrdreg s24  }
0xaf: {  	[dreg:$0x3] =	wrdreg $0x2B000  }
0xb0: {  	[dreg:$0x4] =	wrdreg $0x9  }
0xb1: {  	_ =	task.clear_ibuf [dreg:s6], $0x5FFFF;
	_ =	strace $0x90000046  }
0xb2: {  	s29 =	simm.s32 $0x9;
	_ =	strace $0x80000048  }
0xb3: {  	_ =	swait.ge [sflag:s29], $0x1  }
0xb4: {  	[sflag:s29] =	ssyncadd.s32 $0xFFFFFFFF  }
0xb5: {  	_ =	strace $0x90000048  }
0xb6: {  	_ =	sfence  }
0xb7: {  	s30 =	sld [smem:$0x0];
	_ =	sdelay $0x2  }
0xb8: {  	s31 =	sshll.u32 s1, $0xD;
	s1 =	sshrl.u32 s1, $0x2  }
0xb9: {  	s3 =	sand.u32 $0x4000, s31;
	s1 =	sadd.s32 s1, s30  }
0xba: {  	s0 =	sor.u32 s3, s0;
	s1 =	sshll.u32 s1, $0x11  }
0xbb: {  	s0 =	sor.u32 s1, s0  }
0xbc: {  	s0 =	sadd.s32 $0x8F2B, s0  }
0xbd: {  	[sflag:s0] =	ssyncadd.remote.s32 $0x1  }
0xbe: {  	_ =	sfence.sel $0xFFFF  }
0xbf: {  	[dreg:$0x0] =	wrdreg $0xFFFFFFFF;
	(pc) =	sbr.abs _section_cstart, $3  }
0xc0: {  	[dreg:$0x1] =	wrdreg $0xFFFFFFFF  }
0xc1: {  	_ =	task.clear_ibuf [dreg:s6], $0x2FFFF;
	_ =	strace $0x9FFFFFFF  }
0xc2: {  	(tm) =	ssettm $0x7FFFFFFF  }
0xc3: {  	_ =	shalt  }
tec
execute0_lowered:
.L_overlay_start_1:
0x0: {  	(tag) =	ssettag $0x1  }
0x1: {  	s4 =	rddreg [dreg:$0x0]  }
0x2: {  	s2 =	rddreg [dreg:$0x1]  }
0x3: {  	s3 =	srdreg.scid;
	s1 =	stileid.u32  }
0x4: {  	s0 =	rddreg [dreg:$0x2];
	s10 =	simm.s32 $0x80;
	s11 =	simm.s32 $0x2800  }
0x5: {  	s14 =	simm.s32 $0x20;
	s15 =	simm.s32 $0x10;
	s16 =	simm.s32 $0x0  }
0x6: {  	s5 =	sand.u32 $0x1, s3;
	s6 =	sshll.u32 s1, $0x1;
	s7 =	smul.u32 $0x500, s1  }
0x7: {  	s3 =	simm.s32 $0x0;
	s30 =	smul.u32 $0xA00, s1;
	s12 =	sshll.u32 s1, $0x6  }
0x8: {  	s6 =	sor.u32 s5, s6;
	[smem:$0x7FF] =	sst s3;
	s8 =	sshll.u32 s5, $0x7  }
0x9: {  	s5 =	ssub.s32 $0x2, s5;
	s12 =	sor.u32 $0x1C01, s12;
	s6 =	smul.u32 $0x500, s6  }
0xa: {  	_ =	strace $0x80000047;
	s7 =	sor.u32 s8, s7;
	s31 =	sshrl.u32 s5, $0x1  }
0xb: {  	s8 =	sshrl.u32 s30, $0x2;
	s7 =	sshrl.u32 s7, $0x3;
	s9 =	ssub.s32 s5, s31  }
0xc: {  	s5 =	sadd.s32 s8, s2;
	s8 =	simm.s32 $0x1;
	s6 =	sadd.s32 s6, s4  }
0xd: {  	s7 =	sadd.s32 s7, s4;
	s13 =	sshrl.u32 s5, $0x3;
	s4 =	sadd.s32 $0x2800, s6  }
0xe: {  	v0 =	vimm.f32 $1.000000000e+00;
	v1 =	vimm.f32 $0.0e+00;
	s6 =	sadd.s32 $0x16800, s7;
	s7 =	smax.u32 s9, $0x1;
	s9 =	simm.s32 $0x2880  }
.LBB2_1:
0xf: {  	[tilespmem:s3], [sflag:$0x1] =	stream.linear.gather [hbm4b:s4+s3], $0x2800, $0x38;
	[tilespmem:$0x2D80] =	vst v63  }
0x10: {  	_ =	swait.ge [sflag:s8], $0x2800  }
0x11: {  	[sflag:s8] =	ssyncset.done $0x0  }
0x12: {  	[sflag:s8] =	ssyncadd.s32 $0xFFFFD800  }
0x13: {  	[tilespmem:$0x2800] =	vst v0  }
0x14: {  	[tilespmem:$0x2810] =	vst v0  }
0x15: {  	[tilespmem:$0x2820] =	vst v0  }
0x16: {  	[tilespmem:$0x2830] =	vst v0  }
0x17: {  	[tilespmem:$0x2840] =	vst v0  }
0x18: {  	[tilespmem:$0x2850] =	vst v0  }
0x19: {  	[tilespmem:$0x2860] =	vst v0  }
0x1a: {  	[tilespmem:$0x2870] =	vst v0  }
0x1b: {  	[tilespmem:$0x2880] =	vst v1  }
0x1c: {  	[tilespmem:$0x2890] =	vst v1  }
0x1d: {  	[tilespmem:$0x28A0] =	vst v1  }
0x1e: {  	[tilespmem:$0x28B0] =	vst v1  }
0x1f: {  	[tilespmem:$0x28C0] =	vst v1  }
0x20: {  	[tilespmem:$0x28D0] =	vst v1  }
0x21: {  	[tilespmem:$0x28E0] =	vst v1  }
0x22: {  	[tilespmem:$0x28F0] =	vst v1  }
0x23: {  	[tilespmem:$0x2900] =	vst v1  }
0x24: {  	[tilespmem:$0x2910] =	vst v1  }
0x25: {  	[tilespmem:$0x2920] =	vst v1  }
0x26: {  	[tilespmem:$0x2930] =	vst v1  }
0x27: {  	[tilespmem:$0x2940] =	vst v1  }
0x28: {  	[tilespmem:$0x2950] =	vst v1  }
0x29: {  	[tilespmem:$0x2960] =	vst v1  }
0x2a: {  	[tilespmem:$0x2970] =	vst v1  }
0x2b: {  	[tilespmem:$0x2980] =	vst v1  }
0x2c: {  	[tilespmem:$0x2990] =	vst v1  }
0x2d: {  	[tilespmem:$0x29A0] =	vst v1  }
0x2e: {  	[tilespmem:$0x29B0] =	vst v1  }
0x2f: {  	[tilespmem:$0x29C0] =	vst v1  }
0x30: {  	[tilespmem:$0x29D0] =	vst v1  }
0x31: {  	[tilespmem:$0x29E0] =	vst v1  }
0x32: {  	[tilespmem:$0x29F0] =	vst v1  }
0x33: {  	[tilespmem:$0x2A00] =	vst v1  }
0x34: {  	[tilespmem:$0x2A10] =	vst v1  }
0x35: {  	[tilespmem:$0x2A20] =	vst v1  }
0x36: {  	[tilespmem:$0x2A30] =	vst v1  }
0x37: {  	[tilespmem:$0x2A40] =	vst v1  }
0x38: {  	[tilespmem:$0x2A50] =	vst v1  }
0x39: {  	[tilespmem:$0x2A60] =	vst v1  }
0x3a: {  	[tilespmem:$0x2A70] =	vst v1  }
0x3b: {  	[tilespmem:$0x2A80] =	vst v1  }
0x3c: {  	[tilespmem:$0x2A90] =	vst v1  }
0x3d: {  	[tilespmem:$0x2AA0] =	vst v1  }
0x3e: {  	[tilespmem:$0x2AB0] =	vst v1  }
0x3f: {  	[tilespmem:$0x2AC0] =	vst v1  }
0x40: {  	[tilespmem:$0x2AD0] =	vst v1  }
0x41: {  	[tilespmem:$0x2AE0] =	vst v1  }
0x42: {  	[tilespmem:$0x2AF0] =	vst v1  }
0x43: {  	[spmem:s5] =	stream.linear.scatter [tilespmem:s9], [sflag:$0x1], $0x280, $0x38;
	[tilespmem:$0x2D80] =	vst v63  }
0x44: {  	_ =	swait.ge [sflag:s8], $0x280  }
0x45: {  	[sflag:s8] =	ssyncset.done $0x0  }
0x46: {  	[sflag:s8] =	ssyncadd.s32 $0xFFFFFD80  }
0x47: {  	s17 =	simm.s32 $0x0;
	[bflag:$0x0] =	sbarrier.arrive $0xFFFF  }
0x48: {  	[spmem:s2] =	stream.indirect.scatter.add.f32 [tilespmem:s11], [sflag:$0x1], $0x1, s17, s10, $0xb8;
	[tilespmem:$0x2D80] =	vst v63  }
0x49: {  	_ =	swait.ge [sflag:s8], $0x80  }
0x4a: {  	s17 =	simm.s32 $0x200;
	[sflag:s8] =	ssyncset.done $0x0  }
.LBB2_2:
0x4b: {  	s18 =	sshra.s32 s17, $0x2;
	[sflag:s8] =	ssyncadd.s32 $0xFFFFFF80;
	p0 =	sne.s32 s17, $0x9E00  }
0x4c: {  	[spmem:s2] =	stream.indirect.scatter.add.f32 [tilespmem:s11], [sflag:$0x1], $0x1, s18, s10, $0xb8;
	[tilespmem:$0x2D80] =	vst v63  }
.Ltmp0:
0x4d: {  	_ = 	snop;
	(pc) =	sbr.rel @p0 .LBB2_2-.Ltmp0, $4  }
0x4e: {  	_ = 	snop  }
0x4f: {  	s17 =	sadd.s32 $0x200, s17  }
0x50: {  	_ =	swait.ge [sflag:s8], $0x80  }
0x51: {  	[sflag:s8] =	ssyncset.done $0x0  }
0x52: {  	s16 =	sadd.s32 $0x1, s16  }
0x53: {  	[sflag:s8] =	ssyncadd.s32 $0xFFFFFF80;
	p0 =	sne.s32 s16, s7  }
.Ltmp1:
0x54: {  	[bflag:$0x0] =	sbarrier.arrive $0xFFFF;
	(pc) =	sbr.rel @p0 .LBB2_1-.Ltmp1, $4  }
0x55: {  	[hbm:s6@s14], [sflag:s12] =	dma.strided [spmem:s13@s15], $0x50, s8, $0x10   }
0x56: {  	_ =	swait.ge [sflag:s8], $0x50  }
0x57: {  	[sflag:s8] =	ssyncset.done $0x0  }
0x58: {  	[sflag:s8] =	ssyncadd.s32 $0xFFFFFFB0  }
0x59: {  	_ =	sfence.sel $0x180000  }
0x5a: {  	[bflag:$0x0] =	sbarrier.arrive $0xFFFF  }
0x5b: {  	p0 =	sne.s32 s1, $0x0;
	_ =	strace $0x90000047  }
0x5c: {  	s0 =	sadd.s32 @!p0 $0x100000, s0;
	[bflag:$0x2] =	sbarrier.arrive $0xFFFF  }
0x5d: {  	[sflag:s0] =	ssyncadd.tile.s32 @!p0 $0x1;
	_ =	shalt  }
.Lfunc_end2:
_tile_overlayer_lowered:
.L_overlay_start_2:
0x5e: {  	(tag) =	ssettag $0x2  }
0x5f: {  	s0 =	rddreg [dreg:$0x0];
	s2 =	stileid.u32  }
0x60: {  	s1 =	rddreg [dreg:$0x1];
	p0 =	sne.s32 s2, $0x0  }
0x61: {  	s3 =	rddreg [dreg:$0x2];
	[bflag:$0x3] =	sbarrier.arrive $0xFFFF;
	s2 =	simm.s32 @!p0 $0x1C01  }
0x62: {  	[timem:s3], [sflag:s2] =	dma.local @!p0 [hbm:s0], s1  }
0x63: {  	s0 =	simm.s32 @!p0 $0x1  }
0x64: {  	_ =	swait.ge @!p0 [sflag:s0], s1  }
0x65: {  	s1 =	ssub.s32 @!p0 $0x0, s1;
	[sflag:s0] =	ssyncset.done @!p0 $0x0  }
0x66: {  	[sflag:s0] =	ssyncadd.s32 @!p0 s1  }
0x67: {  	[bflag:$0x3] =	sbarrier.arrive $0xFFFF  }
0x68: {  	_ =	shalt  }

</sc_bundles>
